<compile_context>
chip_gen: v7x
topology: tpu7x:2x2x1
jax: 0.10.2.dev20260603
libtpu: 0.0.44.dev20260713+nightly
codegen_flags: <defaults>
</compile_context>

<pallas_src>
import functools

import jax
import jax.numpy as jnp
from jax import lax
from jax.experimental import pallas as pl
from jax.experimental.pallas import tpu as pltpu
from jax.experimental.pallas import tpu_sc as plsc

_NC = 2
_NS = 16
_C = 128


def _sc_scatter(x, src, dst):
    n, d = x.shape
    e = src.shape[0]
    assert e % (_NC * _C) == 0
    chunks_per_core = e // (_NC * _C)
    tmax = (chunks_per_core + _NS - 1) // _NS
    rpt = (n // _NS) // 8 * 8
    rem = n - rpt * _NS
    assert rem % 8 == 0 and rem <= rpt
    mesh = plsc.VectorSubcoreMesh(core_axis_name="c", subcore_axis_name="s")

    zr = 48
    assert rpt % zr == 0 and rem <= zr

    @functools.partial(
        pl.kernel,
        out_type=jax.ShapeDtypeStruct((_NC, n, d), jnp.float32),
        mesh=mesh,
        scratch_types=[
            pltpu.VMEM((zr, d), jnp.float32),
            pltpu.VMEM((_C, d), jnp.float32),
            pltpu.VMEM((_C,), jnp.int32),
            pltpu.VMEM((_C,), jnp.int32),
            pltpu.VMEM_SHARED((n, d), jnp.float32),
            pltpu.SemaphoreType.DMA,
        ],
    )
    def k(x_hbm, src_hbm, dst_hbm, out_hbm, zbuf, rows_v, sidx, didx, acc, sem):
        cid = lax.axis_index("c")
        sid = lax.axis_index("s")

        zero16 = jnp.zeros((16,), jnp.float32)

        def zrow(r, _):
            for cc in range(d // 16):
                zbuf[r, pl.ds(cc * 16, 16)] = zero16
            return 0

        lax.fori_loop(0, zr, zrow, 0)

        def zcopy(t, _):
            pltpu.sync_copy(zbuf, acc.at[pl.ds(sid * rpt + t * zr, zr)])
            return 0

        lax.fori_loop(0, rpt // zr, zcopy, 0)

        @pl.when(sid == 0)
        def _():
            pltpu.sync_copy(zbuf.at[pl.ds(0, rem)], acc.at[pl.ds(_NS * rpt, rem)])

        plsc.subcore_barrier()

        def body(t, _):
            rel = sid + _NS * t

            @pl.when(rel < chunks_per_core)
            def _():
                off = (cid * chunks_per_core + rel) * _C
                pltpu.sync_copy(src_hbm.at[pl.ds(off, _C)], sidx)
                pltpu.sync_copy(dst_hbm.at[pl.ds(off, _C)], didx)
                pltpu.async_copy(x_hbm.at[sidx], rows_v, sem).wait()
                pltpu.sync_copy(rows_v, acc.at[didx], add=True)

            return 0

        lax.fori_loop(0, tmax, body, 0)
        plsc.subcore_barrier()

        pltpu.sync_copy(
            acc.at[pl.ds(sid * rpt, rpt)], out_hbm.at[cid, pl.ds(sid * rpt, rpt)]
        )

        @pl.when(sid == 0)
        def _():
            pltpu.sync_copy(
                acc.at[pl.ds(_NS * rpt, rem)], out_hbm.at[cid, pl.ds(_NS * rpt, rem)]
            )

    return k(x, src, dst)


def _tc_layer(p, xin, wlT, wrT, bl, scale, shift, relu):
    n, d = xin.shape
    br = 1000
    assert n % br == 0

    def body(p_ref, x_ref, wl_ref, wr_ref, bl_ref, sc_ref, sh_ref, o_ref):
        agg = p_ref[0] + p_ref[1]
        y = jnp.dot(agg, wl_ref[...], preferred_element_type=jnp.float32)
        y = y + jnp.dot(x_ref[...], wr_ref[...], preferred_element_type=jnp.float32)
        y = y + bl_ref[...]
        nrm = jnp.sqrt(jnp.sum(y * y, axis=1, keepdims=True))
        y = y / jnp.maximum(nrm, 1e-12)
        y = y * sc_ref[...] + sh_ref[...]
        if relu:
            y = jnp.maximum(y, 0.0)
        o_ref[...] = y

    return pl.pallas_call(
        body,
        grid=(n // br,),
        in_specs=[
            pl.BlockSpec((2, br, d), lambda i: (0, i, 0)),
            pl.BlockSpec((br, d), lambda i: (i, 0)),
            pl.BlockSpec((d, d), lambda i: (0, 0)),
            pl.BlockSpec((d, d), lambda i: (0, 0)),
            pl.BlockSpec((1, d), lambda i: (0, 0)),
            pl.BlockSpec((1, d), lambda i: (0, 0)),
            pl.BlockSpec((1, d), lambda i: (0, 0)),
        ],
        out_specs=pl.BlockSpec((br, d), lambda i: (i, 0)),
        out_shape=jax.ShapeDtypeStruct((n, d), jnp.float32),
    )(p, xin, wlT, wrT, bl, scale, shift)


def kernel(x, edge_index, Wl1, bl1, Wr1, g1, be1, m1, v1, Wl2, bl2, Wr2, g2, be2, m2, v2):
    n, d = x.shape
    src = edge_index[0]
    dst = edge_index[1]
    scale1 = g1 / jnp.sqrt(v1 + 1e-5)
    shift1 = be1 - m1 * scale1
    scale2 = g2 / jnp.sqrt(v2 + 1e-5)
    shift2 = be2 - m2 * scale2

    p1 = _sc_scatter(x, src, dst)
    h = _tc_layer(p1, x, Wl1.T, Wr1.T, bl1[None], scale1[None], shift1[None], True)
    p2 = _sc_scatter(h, src, dst)
    return _tc_layer(p2, h, Wl2.T, Wr2.T, bl2[None], scale2[None], shift2[None], False)

# --- scband reference (transcript-rebuilt; emitter-appended) ---
"""Pipeline reference for scband-gnnencoder-24515673325797 (READ-ONLY COPY).

The authoritative reference and input builder live on the scoring server;
editing this copy changes nothing except your own understanding.
"""

import jax, jax.numpy as jnp
import numpy as np

N = 10000
E = 320000
D = 128


def _sage(x, src, dst, Wl, bl, Wr):
    # SAGEConv(aggr='sum', normalize=True): out = lin_l(sum_{j in N(i)} x_j) + lin_r(x_i), then L2-normalize
    msgs = jnp.take(x, src, axis=0)
    agg = jax.ops.segment_sum(msgs, dst, num_segments=N)
    out = agg @ Wl.T + bl + x @ Wr.T
    nrm = jnp.linalg.norm(out, axis=-1, keepdims=True)
    return out / jnp.maximum(nrm, 1e-12)


def _bn(x, g, b, m, v):
    # BatchNorm1d in eval mode with running stats
    return (x - m) / jnp.sqrt(v + 1e-5) * g + b


def setup_inputs(seed: int = 0) -> dict:
    key = jax.random.key(seed)
    ks = jax.random.split(key, 10)
    s = 1.0 / np.sqrt(D)
    x = jax.random.normal(ks[0], (N, D), dtype=jnp.float32)
    edge_index = jax.random.randint(ks[1], (2, E), 0, N, dtype=jnp.int32)
    Wl1 = jax.random.normal(ks[2], (D, D), dtype=jnp.float32) * s
    bl1 = jnp.zeros((D,), dtype=jnp.float32)
    Wr1 = jax.random.normal(ks[3], (D, D), dtype=jnp.float32) * s
    g1 = jnp.ones((D,), dtype=jnp.float32)
    be1 = jnp.zeros((D,), dtype=jnp.float32)
    m1 = jnp.zeros((D,), dtype=jnp.float32)
    v1 = jnp.ones((D,), dtype=jnp.float32)
    Wl2 = jax.random.normal(ks[4], (D, D), dtype=jnp.float32) * s
    bl2 = jnp.zeros((D,), dtype=jnp.float32)
    Wr2 = jax.random.normal(ks[5], (D, D), dtype=jnp.float32) * s
    g2 = jnp.ones((D,), dtype=jnp.float32)
    be2 = jnp.zeros((D,), dtype=jnp.float32)
    m2 = jnp.zeros((D,), dtype=jnp.float32)
    v2 = jnp.ones((D,), dtype=jnp.float32)
    return {"x": x, "edge_index": edge_index,
            "Wl1": Wl1, "bl1": bl1, "Wr1": Wr1, "g1": g1, "be1": be1, "m1": m1, "v1": v1,
            "Wl2": Wl2, "bl2": bl2, "Wr2": Wr2, "g2": g2, "be2": be2, "m2": m2, "v2": v2}


def reference(x, edge_index, Wl1, bl1, Wr1, g1, be1, m1, v1, Wl2, bl2, Wr2, g2, be2, m2, v2):
    src = edge_index[0]
    dst = edge_index[1]
    h = _sage(x, src, dst, Wl1, bl1, Wr1)
    h = jax.nn.relu(_bn(h, g1, be1, m1, v1))
    # dropout(0.3) is identity in eval mode
    h = _sage(h, src, dst, Wl2, bl2, Wr2)
    out = _bn(h, g2, be2, m2, v2)
    return out

if __name__ == "__main__":
    import jax
    _d = setup_inputs()
    print(jax.jit(kernel)(*tuple(_d.values())))

</pallas_src>

<mosaic_0001>
#map = affine_map<(d0, d1) -> (0, 0)>
#map1 = affine_map<(d0, d1) -> (0)>
#map2 = affine_map<(d0, d1) -> (0, 0, 0)>
module attributes {stable_mosaic.version = 14 : i64} {
  func.func @k(%arg0: i32, %arg1: i32, %arg2: memref<10000x128xf32, #tpu.memory_space<hbm>>, %arg3: memref<320000xi32, #tpu.memory_space<hbm>>, %arg4: memref<320000xi32, #tpu.memory_space<hbm>>, %arg5: memref<2x10000x128xf32, #tpu.memory_space<hbm>>, %arg6: memref<48x128xf32, #tpu.memory_space<vmem>>, %arg7: memref<128x128xf32, #tpu.memory_space<vmem>>, %arg8: memref<128xi32, #tpu.memory_space<vmem>>, %arg9: memref<128xi32, #tpu.memory_space<vmem>>, %arg10: memref<10000x128xf32, #tpu.memory_space<vmem_shared>>, %arg11: memref<!tpu.dma_semaphore, #tpu.memory_space<semaphore_mem>>) attributes {dimension_semantics = [#tpu.dimension_semantics<core_parallel>, #tpu.dimension_semantics<subcore_parallel>], iteration_bounds = array<i64: 2, 16>, scalar_prefetch = 0 : i64, scratch_operands = 6 : i64, tpu.core_type = #tpu.core_type<sc_vector_subcore>, window_params = [{transform_indices = #map}, {transform_indices = #map1}, {transform_indices = #map1}, {transform_indices = #map2}]} {
    %broadcast_in_dim3A = arith.constant 0.000000e+00 : f32
    %broadcast_in_dim3A_0 = vector.broadcast %broadcast_in_dim3A : f32 to vector<16xf32>
    %scan3A = arith.constant 0 : i32
    %scan3A_1 = arith.constant 0 : i32
    %scan3A_2 = arith.constant 48 : i32
    %scan3A_3 = arith.addi %scan3A_1, %scan3A_2 : i32
    %scan3A_4 = arith.constant 1 : i32
    %scan3A_5 = scf.for %scan3A_32 = %scan3A_1 to %scan3A_3 step %scan3A_4 iter_args(%scan3A_33 = %scan3A) -> (i32)  : i32 {
      %swap3A = arith.index_cast %scan3A_32 : i32 to index
      %swap3A_34 = arith.constant 0 : index
      %swap3A_35 = tpu.vector_load %arg6[%swap3A, %swap3A_34] {strides = array<i32>} : memref<48x128xf32, #tpu.memory_space<vmem>>, vector<1x16xf32>,
      %swap3A_36 = vector.shape_cast %swap3A_35 : vector<1x16xf32> to vector<16xf32>
      %swap3A_37 = vector.shape_cast %broadcast_in_dim3A_0 : vector<16xf32> to vector<1x16xf32>
      tpu.vector_store %arg6[%swap3A, %swap3A_34], %swap3A_37 {strides = array<i32>} : memref<48x128xf32, #tpu.memory_space<vmem>>, vector<1x16xf32>,
      %swap3A_38 = arith.index_cast %scan3A_32 : i32 to index
      %swap3A_39 = arith.constant 16 : index
      %swap3A_40 = tpu.vector_load %arg6[%swap3A_38, %swap3A_39] {strides = array<i32>} : memref<48x128xf32, #tpu.memory_space<vmem>>, vector<1x16xf32>,
      %swap3A_41 = vector.shape_cast %swap3A_40 : vector<1x16xf32> to vector<16xf32>
      %swap3A_42 = vector.shape_cast %broadcast_in_dim3A_0 : vector<16xf32> to vector<1x16xf32>
      tpu.vector_store %arg6[%swap3A_38, %swap3A_39], %swap3A_42 {strides = array<i32>} : memref<48x128xf32, #tpu.memory_space<vmem>>, vector<1x16xf32>,
      %swap3A_43 = arith.index_cast %scan3A_32 : i32 to index
      %swap3A_44 = arith.constant 32 : index
      %swap3A_45 = tpu.vector_load %arg6[%swap3A_43, %swap3A_44] {strides = array<i32>} : memref<48x128xf32, #tpu.memory_space<vmem>>, vector<1x16xf32>,
      %swap3A_46 = vector.shape_cast %swap3A_45 : vector<1x16xf32> to vector<16xf32>
      %swap3A_47 = vector.shape_cast %broadcast_in_dim3A_0 : vector<16xf32> to vector<1x16xf32>
      tpu.vector_store %arg6[%swap3A_43, %swap3A_44], %swap3A_47 {strides = array<i32>} : memref<48x128xf32, #tpu.memory_space<vmem>>, vector<1x16xf32>,
      %swap3A_48 = arith.index_cast %scan3A_32 : i32 to index
      %swap3A_49 = arith.constant 48 : index
      %swap3A_50 = tpu.vector_load %arg6[%swap3A_48, %swap3A_49] {strides = array<i32>} : memref<48x128xf32, #tpu.memory_space<vmem>>, vector<1x16xf32>,
      %swap3A_51 = vector.shape_cast %swap3A_50 : vector<1x16xf32> to vector<16xf32>
      %swap3A_52 = vector.shape_cast %broadcast_in_dim3A_0 : vector<16xf32> to vector<1x16xf32>
      tpu.vector_store %arg6[%swap3A_48, %swap3A_49], %swap3A_52 {strides = array<i32>} : memref<48x128xf32, #tpu.memory_space<vmem>>, vector<1x16xf32>,
      %swap3A_53 = arith.index_cast %scan3A_32 : i32 to index
      %swap3A_54 = arith.constant 64 : index
      %swap3A_55 = tpu.vector_load %arg6[%swap3A_53, %swap3A_54] {strides = array<i32>} : memref<48x128xf32, #tpu.memory_space<vmem>>, vector<1x16xf32>,
      %swap3A_56 = vector.shape_cast %swap3A_55 : vector<1x16xf32> to vector<16xf32>
      %swap3A_57 = vector.shape_cast %broadcast_in_dim3A_0 : vector<16xf32> to vector<1x16xf32>
      tpu.vector_store %arg6[%swap3A_53, %swap3A_54], %swap3A_57 {strides = array<i32>} : memref<48x128xf32, #tpu.memory_space<vmem>>, vector<1x16xf32>,
      %swap3A_58 = arith.index_cast %scan3A_32 : i32 to index
      %swap3A_59 = arith.constant 80 : index
      %swap3A_60 = tpu.vector_load %arg6[%swap3A_58, %swap3A_59] {strides = array<i32>} : memref<48x128xf32, #tpu.memory_space<vmem>>, vector<1x16xf32>,
      %swap3A_61 = vector.shape_cast %swap3A_60 : vector<1x16xf32> to vector<16xf32>
      %swap3A_62 = vector.shape_cast %broadcast_in_dim3A_0 : vector<16xf32> to vector<1x16xf32>
      tpu.vector_store %arg6[%swap3A_58, %swap3A_59], %swap3A_62 {strides = array<i32>} : memref<48x128xf32, #tpu.memory_space<vmem>>, vector<1x16xf32>,
      %swap3A_63 = arith.index_cast %scan3A_32 : i32 to index
      %swap3A_64 = arith.constant 96 : index
      %swap3A_65 = tpu.vector_load %arg6[%swap3A_63, %swap3A_64] {strides = array<i32>} : memref<48x128xf32, #tpu.memory_space<vmem>>, vector<1x16xf32>,
      %swap3A_66 = vector.shape_cast %swap3A_65 : vector<1x16xf32> to vector<16xf32>
      %swap3A_67 = vector.shape_cast %broadcast_in_dim3A_0 : vector<16xf32> to vector<1x16xf32>
      tpu.vector_store %arg6[%swap3A_63, %swap3A_64], %swap3A_67 {strides = array<i32>} : memref<48x128xf32, #tpu.memory_space<vmem>>, vector<1x16xf32>,
      %swap3A_68 = arith.index_cast %scan3A_32 : i32 to index
      %swap3A_69 = arith.constant 112 : index
      %swap3A_70 = tpu.vector_load %arg6[%swap3A_68, %swap3A_69] {strides = array<i32>} : memref<48x128xf32, #tpu.memory_space<vmem>>, vector<1x16xf32>,
      %swap3A_71 = vector.shape_cast %swap3A_70 : vector<1x16xf32> to vector<16xf32>
      %swap3A_72 = vector.shape_cast %broadcast_in_dim3A_0 : vector<16xf32> to vector<1x16xf32>
      tpu.vector_store %arg6[%swap3A_68, %swap3A_69], %swap3A_72 {strides = array<i32>} : memref<48x128xf32, #tpu.memory_space<vmem>>, vector<1x16xf32>,
      %scan3A_73 = arith.constant 0 : i32
      scf.yield %scan3A_73 : i32
    }
    %scan3A_6 = arith.constant 48 : i32
    %scan3A_7 = arith.constant 0 : i32
    %scan3A_8 = arith.constant 0 : i32
    %scan3A_9 = arith.constant 13 : i32
    %scan3A_10 = arith.addi %scan3A_8, %scan3A_9 : i32
    %scan3A_11 = arith.constant 1 : i32
    %scan3A_12 = scf.for %scan3A_32 = %scan3A_8 to %scan3A_10 step %scan3A_11 iter_args(%scan3A_33 = %scan3A_7) -> (i32)  : i32 {
      %mul3A_34 = arith.constant 624 : i32
      %mul3A_35 = arith.muli %arg1, %mul3A_34 : i32
      %mul3A_36 = arith.constant 48 : i32
      %mul3A_37 = arith.muli %scan3A_32, %mul3A_36 : i32
      %add3A = arith.addi %mul3A_35, %mul3A_37 : i32
      "tpu.region"() ({
        %run_scoped3A = tpu.sem_alloc : memref<!tpu.dma_semaphore, #tpu.memory_space<semaphore_mem>>
        %dma_start3A = arith.constant 0 : i32
        %dma_start3A_39 = tpu.memref_slice %arg10[%add3A, %dma_start3A] : memref<10000x128xf32, #tpu.memory_space<vmem_shared>> -> memref<48x128xf32, #tpu.memory_space<vmem_shared>>
        %dma_start3A_40 = arith.constant 0 : i32
        %dma_start3A_41 = tpu.memref_slice %arg10[%add3A, %dma_start3A_40] : memref<10000x128xf32, #tpu.memory_space<vmem_shared>> -> memref<48x128xf32, #tpu.memory_space<vmem_shared>>
        tpu.enqueue_dma source(%arg6 : memref<48x128xf32, #tpu.memory_space<vmem>>) target(%dma_start3A_41 : memref<48x128xf32, #tpu.memory_space<vmem_shared>>) target_semaphore(%run_scoped3A : memref<!tpu.dma_semaphore, #tpu.memory_space<semaphore_mem>>)
        %dma_wait3A = arith.constant 0 : i32
        %dma_wait3A_42 = tpu.memref_slice %arg10[%add3A, %dma_wait3A] : memref<10000x128xf32, #tpu.memory_space<vmem_shared>> -> memref<48x128xf32, #tpu.memory_space<vmem_shared>>
        %dma_wait3A_43 = arith.constant 0 : i32
        %dma_wait3A_44 = tpu.memref_slice %arg10[%add3A, %dma_wait3A_43] : memref<10000x128xf32, #tpu.memory_space<vmem_shared>> -> memref<48x128xf32, #tpu.memory_space<vmem_shared>>
        tpu.wait_dma2 semaphore(%run_scoped3A : memref<!tpu.dma_semaphore, #tpu.memory_space<semaphore_mem>>) src(%arg6 : memref<48x128xf32, #tpu.memory_space<vmem>>) dst(%dma_wait3A_44 : memref<48x128xf32, #tpu.memory_space<vmem_shared>>)
        tpu.yield
      }) : () -> ()
      %scan3A_38 = arith.constant 0 : i32
      scf.yield %scan3A_38 : i32
    }
    %scan3A_13 = arith.constant 13 : i32
    %eq3A = arith.constant 0 : i32
    %eq3A_14 = arith.cmpi eq, %arg1, %eq3A : i32
    %convert_element_type3A = arith.extui %eq3A_14 : i1 to i32
    %cond3A = arith.constant 0 : i32
    %cond3A_15 = arith.cmpi ne, %convert_element_type3A, %cond3A : i32
    scf.if %cond3A_15 {
      "tpu.region"() ({
        %run_scoped3A = tpu.sem_alloc : memref<!tpu.dma_semaphore, #tpu.memory_space<semaphore_mem>>
        %dma_start3A = arith.constant 0 : i32
        %dma_start3A_32 = arith.constant 0 : i32
        %dma_start3A_33 = tpu.memref_slice %arg6[%dma_start3A, %dma_start3A_32] : memref<48x128xf32, #tpu.memory_space<vmem>> -> memref<16x128xf32, #tpu.memory_space<vmem>>
        %dma_start3A_34 = arith.constant 9984 : i32
        %dma_start3A_35 = arith.constant 0 : i32
        %dma_start3A_36 = tpu.memref_slice %arg10[%dma_start3A_34, %dma_start3A_35] : memref<10000x128xf32, #tpu.memory_space<vmem_shared>> -> memref<16x128xf32, #tpu.memory_space<vmem_shared>>
        %dma_start3A_37 = arith.constant 9984 : i32
        %dma_start3A_38 = arith.constant 0 : i32
        %dma_start3A_39 = tpu.memref_slice %arg10[%dma_start3A_37, %dma_start3A_38] : memref<10000x128xf32, #tpu.memory_space<vmem_shared>> -> memref<16x128xf32, #tpu.memory_space<vmem_shared>>
        %dma_start3A_40 = arith.constant 0 : i32
        %dma_start3A_41 = arith.constant 0 : i32
        %dma_start3A_42 = tpu.memref_slice %arg6[%dma_start3A_40, %dma_start3A_41] : memref<48x128xf32, #tpu.memory_space<vmem>> -> memref<16x128xf32, #tpu.memory_space<vmem>>
        tpu.enqueue_dma source(%dma_start3A_42 : memref<16x128xf32, #tpu.memory_space<vmem>>) target(%dma_start3A_39 : memref<16x128xf32, #tpu.memory_space<vmem_shared>>) target_semaphore(%run_scoped3A : memref<!tpu.dma_semaphore, #tpu.memory_space<semaphore_mem>>)
        %dma_wait3A = arith.constant 0 : i32
        %dma_wait3A_43 = arith.constant 0 : i32
        %dma_wait3A_44 = tpu.memref_slice %arg6[%dma_wait3A, %dma_wait3A_43] : memref<48x128xf32, #tpu.memory_space<vmem>> -> memref<16x128xf32, #tpu.memory_space<vmem>>
        %dma_wait3A_45 = arith.constant 9984 : i32
        %dma_wait3A_46 = arith.constant 0 : i32
        %dma_wait3A_47 = tpu.memref_slice %arg10[%dma_wait3A_45, %dma_wait3A_46] : memref<10000x128xf32, #tpu.memory_space<vmem_shared>> -> memref<16x128xf32, #tpu.memory_space<vmem_shared>>
        %dma_wait3A_48 = arith.constant 9984 : i32
        %dma_wait3A_49 = arith.constant 0 : i32
        %dma_wait3A_50 = tpu.memref_slice %arg10[%dma_wait3A_48, %dma_wait3A_49] : memref<10000x128xf32, #tpu.memory_space<vmem_shared>> -> memref<16x128xf32, #tpu.memory_space<vmem_shared>>
        %dma_wait3A_51 = arith.constant 0 : i32
        %dma_wait3A_52 = arith.constant 0 : i32
        %dma_wait3A_53 = tpu.memref_slice %arg6[%dma_wait3A_51, %dma_wait3A_52] : memref<48x128xf32, #tpu.memory_space<vmem>> -> memref<16x128xf32, #tpu.memory_space<vmem>>
        tpu.wait_dma2 semaphore(%run_scoped3A : memref<!tpu.dma_semaphore, #tpu.memory_space<semaphore_mem>>) src(%dma_wait3A_53 : memref<16x128xf32, #tpu.memory_space<vmem>>) dst(%dma_wait3A_50 : memref<16x128xf32, #tpu.memory_space<vmem_shared>>)
        tpu.yield
      }) : () -> ()
    } else {
    }
    %barrier3A = arith.constant 0 : index
    tpu.barrier barrier_id(%barrier3A)
    %scan3A_16 = arith.constant 0 : i32
    %scan3A_17 = arith.constant 0 : i32
    %scan3A_18 = arith.constant 79 : i32
    %scan3A_19 = arith.addi %scan3A_17, %scan3A_18 : i32
    %scan3A_20 = arith.constant 1 : i32
    %scan3A_21 = scf.for %scan3A_32 = %scan3A_17 to %scan3A_19 step %scan3A_20 iter_args(%scan3A_33 = %scan3A_16) -> (i32)  : i32 {
      %mul3A_34 = arith.constant 16 : i32
      %mul3A_35 = arith.muli %mul3A_34, %scan3A_32 : i32
      %add3A = arith.addi %arg1, %mul3A_35 : i32
      %lt3A = arith.constant 1250 : i32
      %lt3A_36 = arith.cmpi slt, %add3A, %lt3A : i32
      %convert_element_type3A_37 = arith.extui %lt3A_36 : i1 to i32
      %cond3A_38 = arith.constant 0 : i32
      %cond3A_39 = arith.cmpi ne, %convert_element_type3A_37, %cond3A_38 : i32
      scf.if %cond3A_39 {
        %mul3A_41 = arith.constant 1250 : i32
        %mul3A_42 = arith.muli %arg0, %mul3A_41 : i32
        %add3A_43 = arith.addi %mul3A_42, %add3A : i32
        %mul3A_44 = arith.constant 128 : i32
        %mul3A_45 = arith.muli %add3A_43, %mul3A_44 : i32
        "tpu.region"() ({
          %run_scoped3A = tpu.sem_alloc : memref<!tpu.dma_semaphore, #tpu.memory_space<semaphore_mem>>
          %dma_start3A_50 = tpu.memref_slice %arg3[%mul3A_45] : memref<320000xi32, #tpu.memory_space<hbm>> -> memref<128xi32, #tpu.memory_space<hbm>>
          %dma_start3A_51 = tpu.memref_slice %arg3[%mul3A_45] : memref<320000xi32, #tpu.memory_space<hbm>> -> memref<128xi32, #tpu.memory_space<hbm>>
          tpu.enqueue_dma source(%dma_start3A_51 : memref<128xi32, #tpu.memory_space<hbm>>) target(%arg8 : memref<128xi32, #tpu.memory_space<vmem>>) target_semaphore(%run_scoped3A : memref<!tpu.dma_semaphore, #tpu.memory_space<semaphore_mem>>)
          %dma_wait3A_52 = tpu.memref_slice %arg3[%mul3A_45] : memref<320000xi32, #tpu.memory_space<hbm>> -> memref<128xi32, #tpu.memory_space<hbm>>
          %dma_wait3A_53 = tpu.memref_slice %arg3[%mul3A_45] : memref<320000xi32, #tpu.memory_space<hbm>> -> memref<128xi32, #tpu.memory_space<hbm>>
          tpu.wait_dma2 semaphore(%run_scoped3A : memref<!tpu.dma_semaphore, #tpu.memory_space<semaphore_mem>>) src(%dma_wait3A_53 : memref<128xi32, #tpu.memory_space<hbm>>) dst(%arg8 : memref<128xi32, #tpu.memory_space<vmem>>)
          tpu.yield
        }) : () -> ()
        "tpu.region"() ({
          %run_scoped3A = tpu.sem_alloc : memref<!tpu.dma_semaphore, #tpu.memory_space<semaphore_mem>>
          %dma_start3A_50 = tpu.memref_slice %arg4[%mul3A_45] : memref<320000xi32, #tpu.memory_space<hbm>> -> memref<128xi32, #tpu.memory_space<hbm>>
          %dma_start3A_51 = tpu.memref_slice %arg4[%mul3A_45] : memref<320000xi32, #tpu.memory_space<hbm>> -> memref<128xi32, #tpu.memory_space<hbm>>
          tpu.enqueue_dma source(%dma_start3A_51 : memref<128xi32, #tpu.memory_space<hbm>>) target(%arg9 : memref<128xi32, #tpu.memory_space<vmem>>) target_semaphore(%run_scoped3A : memref<!tpu.dma_semaphore, #tpu.memory_space<semaphore_mem>>)
          %dma_wait3A_52 = tpu.memref_slice %arg4[%mul3A_45] : memref<320000xi32, #tpu.memory_space<hbm>> -> memref<128xi32, #tpu.memory_space<hbm>>
          %dma_wait3A_53 = tpu.memref_slice %arg4[%mul3A_45] : memref<320000xi32, #tpu.memory_space<hbm>> -> memref<128xi32, #tpu.memory_space<hbm>>
          tpu.wait_dma2 semaphore(%run_scoped3A : memref<!tpu.dma_semaphore, #tpu.memory_space<semaphore_mem>>) src(%dma_wait3A_53 : memref<128xi32, #tpu.memory_space<hbm>>) dst(%arg9 : memref<128xi32, #tpu.memory_space<vmem>>)
          tpu.yield
        }) : () -> ()
        %dma_start3A = arith.constant 0 : i32
        %dma_start3A_46 = arith.constant 0 : i32
        %dma_start3A_47 = tpu.memref_slice %arg2[%dma_start3A, %dma_start3A_46] : memref<10000x128xf32, #tpu.memory_space<hbm>> -> memref<10000x128xf32, #tpu.memory_space<hbm>>
        tpu.enqueue_indirect_dma source(%dma_start3A_47 : memref<10000x128xf32, #tpu.memory_space<hbm>>) target(%arg7 : memref<128x128xf32, #tpu.memory_space<vmem>>) offsets(%arg8 : memref<128xi32, #tpu.memory_space<vmem>>) semaphore(%arg11 : memref<!tpu.dma_semaphore, #tpu.memory_space<semaphore_mem>>)
        %dma_wait3A = arith.constant 0 : i32
        %dma_wait3A_48 = arith.constant 0 : i32
        %dma_wait3A_49 = tpu.memref_slice %arg2[%dma_wait3A, %dma_wait3A_48] : memref<10000x128xf32, #tpu.memory_space<hbm>> -> memref<10000x128xf32, #tpu.memory_space<hbm>>
        tpu.wait_indirect_dma semaphore(%arg11 : memref<!tpu.dma_semaphore, #tpu.memory_space<semaphore_mem>>) src(%dma_wait3A_49 : memref<10000x128xf32, #tpu.memory_space<hbm>>) dst(%arg7 : memref<128x128xf32, #tpu.memory_space<vmem>>)
        "tpu.region"() ({
          %run_scoped3A = tpu.sem_alloc : memref<!tpu.dma_semaphore, #tpu.memory_space<semaphore_mem>>
          %dma_start3A_50 = arith.constant 0 : i32
          %dma_start3A_51 = arith.constant 0 : i32
          %dma_start3A_52 = tpu.memref_slice %arg10[%dma_start3A_50, %dma_start3A_51] : memref<10000x128xf32, #tpu.memory_space<vmem_shared>> -> memref<10000x128xf32, #tpu.memory_space<vmem_shared>>
          tpu.enqueue_indirect_dma source(%arg7 : memref<128x128xf32, #tpu.memory_space<vmem>>) target(%dma_start3A_52 : memref<10000x128xf32, #tpu.memory_space<vmem_shared>>) offsets(%arg9 : memref<128xi32, #tpu.memory_space<vmem>>) semaphore(%run_scoped3A : memref<!tpu.dma_semaphore, #tpu.memory_space<semaphore_mem>>) {add = true}
          %dma_wait3A_53 = arith.constant 0 : i32
          %dma_wait3A_54 = arith.constant 0 : i32
          %dma_wait3A_55 = tpu.memref_slice %arg10[%dma_wait3A_53, %dma_wait3A_54] : memref<10000x128xf32, #tpu.memory_space<vmem_shared>> -> memref<10000x128xf32, #tpu.memory_space<vmem_shared>>
          tpu.wait_indirect_dma semaphore(%run_scoped3A : memref<!tpu.dma_semaphore, #tpu.memory_space<semaphore_mem>>) src(%arg7 : memref<128x128xf32, #tpu.memory_space<vmem>>) dst(%dma_wait3A_55 : memref<10000x128xf32, #tpu.memory_space<vmem_shared>>)
          tpu.yield
        }) : () -> ()
      } else {
      }
      %scan3A_40 = arith.constant 0 : i32
      scf.yield %scan3A_40 : i32
    }
    %scan3A_22 = arith.constant 79 : i32
    %barrier3A_23 = arith.constant 0 : index
    tpu.barrier barrier_id(%barrier3A_23)
    %mul3A = arith.constant 624 : i32
    %mul3A_24 = arith.muli %arg1, %mul3A : i32
    %mul3A_25 = arith.constant 624 : i32
    %mul3A_26 = arith.muli %arg1, %mul3A_25 : i32
    "tpu.region"() ({
      %run_scoped3A = tpu.sem_alloc : memref<!tpu.dma_semaphore, #tpu.memory_space<semaphore_mem>>
      %dma_start3A = arith.constant 0 : i32
      %dma_start3A_32 = tpu.memref_slice %arg5[%arg0, %mul3A_26, %dma_start3A] : memref<2x10000x128xf32, #tpu.memory_space<hbm>> -> memref<1x624x128xf32, #tpu.memory_space<hbm>>
      %dma_start3A_33 = tpu.memref_squeeze %dma_start3A_32 : memref<1x624x128xf32, #tpu.memory_space<hbm>> -> memref<624x128xf32, #tpu.memory_space<hbm>>
      %dma_start3A_34 = arith.constant 0 : i32
      %dma_start3A_35 = tpu.memref_slice %arg10[%mul3A_24, %dma_start3A_34] : memref<10000x128xf32, #tpu.memory_space<vmem_shared>> -> memref<624x128xf32, #tpu.memory_space<vmem_shared>>
      tpu.enqueue_dma source(%dma_start3A_35 : memref<624x128xf32, #tpu.memory_space<vmem_shared>>) target(%dma_start3A_33 : memref<624x128xf32, #tpu.memory_space<hbm>>) target_semaphore(%run_scoped3A : memref<!tpu.dma_semaphore, #tpu.memory_space<semaphore_mem>>)
      %dma_wait3A = arith.constant 0 : i32
      %dma_wait3A_36 = tpu.memref_slice %arg5[%arg0, %mul3A_26, %dma_wait3A] : memref<2x10000x128xf32, #tpu.memory_space<hbm>> -> memref<1x624x128xf32, #tpu.memory_space<hbm>>
      %dma_wait3A_37 = tpu.memref_squeeze %dma_wait3A_36 : memref<1x624x128xf32, #tpu.memory_space<hbm>> -> memref<624x128xf32, #tpu.memory_space<hbm>>
      %dma_wait3A_38 = arith.constant 0 : i32
      %dma_wait3A_39 = tpu.memref_slice %arg10[%mul3A_24, %dma_wait3A_38] : memref<10000x128xf32, #tpu.memory_space<vmem_shared>> -> memref<624x128xf32, #tpu.memory_space<vmem_shared>>
      tpu.wait_dma2 semaphore(%run_scoped3A : memref<!tpu.dma_semaphore, #tpu.memory_space<semaphore_mem>>) src(%dma_wait3A_39 : memref<624x128xf32, #tpu.memory_space<vmem_shared>>) dst(%dma_wait3A_37 : memref<624x128xf32, #tpu.memory_space<hbm>>)
      tpu.yield
    }) : () -> ()
    %eq3A_27 = arith.constant 0 : i32
    %eq3A_28 = arith.cmpi eq, %arg1, %eq3A_27 : i32
    %convert_element_type3A_29 = arith.extui %eq3A_28 : i1 to i32
    %cond3A_30 = arith.constant 0 : i32
    %cond3A_31 = arith.cmpi ne, %convert_element_type3A_29, %cond3A_30 : i32
    scf.if %cond3A_31 {
      "tpu.region"() ({
        %run_scoped3A = tpu.sem_alloc : memref<!tpu.dma_semaphore, #tpu.memory_space<semaphore_mem>>
        %dma_start3A = arith.constant 9984 : i32
        %dma_start3A_32 = arith.constant 0 : i32
        %dma_start3A_33 = tpu.memref_slice %arg5[%arg0, %dma_start3A, %dma_start3A_32] : memref<2x10000x128xf32, #tpu.memory_space<hbm>> -> memref<1x16x128xf32, #tpu.memory_space<hbm>>
        %dma_start3A_34 = tpu.memref_squeeze %dma_start3A_33 : memref<1x16x128xf32, #tpu.memory_space<hbm>> -> memref<16x128xf32, #tpu.memory_space<hbm>>
        %dma_start3A_35 = arith.constant 9984 : i32
        %dma_start3A_36 = arith.constant 0 : i32
        %dma_start3A_37 = tpu.memref_slice %arg10[%dma_start3A_35, %dma_start3A_36] : memref<10000x128xf32, #tpu.memory_space<vmem_shared>> -> memref<16x128xf32, #tpu.memory_space<vmem_shared>>
        tpu.enqueue_dma source(%dma_start3A_37 : memref<16x128xf32, #tpu.memory_space<vmem_shared>>) target(%dma_start3A_34 : memref<16x128xf32, #tpu.memory_space<hbm>>) target_semaphore(%run_scoped3A : memref<!tpu.dma_semaphore, #tpu.memory_space<semaphore_mem>>)
        %dma_wait3A = arith.constant 9984 : i32
        %dma_wait3A_38 = arith.constant 0 : i32
        %dma_wait3A_39 = tpu.memref_slice %arg5[%arg0, %dma_wait3A, %dma_wait3A_38] : memref<2x10000x128xf32, #tpu.memory_space<hbm>> -> memref<1x16x128xf32, #tpu.memory_space<hbm>>
        %dma_wait3A_40 = tpu.memref_squeeze %dma_wait3A_39 : memref<1x16x128xf32, #tpu.memory_space<hbm>> -> memref<16x128xf32, #tpu.memory_space<hbm>>
        %dma_wait3A_41 = arith.constant 9984 : i32
        %dma_wait3A_42 = arith.constant 0 : i32
        %dma_wait3A_43 = tpu.memref_slice %arg10[%dma_wait3A_41, %dma_wait3A_42] : memref<10000x128xf32, #tpu.memory_space<vmem_shared>> -> memref<16x128xf32, #tpu.memory_space<vmem_shared>>
        tpu.wait_dma2 semaphore(%run_scoped3A : memref<!tpu.dma_semaphore, #tpu.memory_space<semaphore_mem>>) src(%dma_wait3A_43 : memref<16x128xf32, #tpu.memory_space<vmem_shared>>) dst(%dma_wait3A_40 : memref<16x128xf32, #tpu.memory_space<hbm>>)
        tpu.yield
      }) : () -> ()
    } else {
    }
    return
  }
}

#map = affine_map<(d0, d1) -> (0, 0)>
#map1 = affine_map<(d0, d1) -> (0)>
#map2 = affine_map<(d0, d1) -> (0, 0, 0)>
module attributes {stable_mosaic.version = 14 : i64} {
  func.func @k(%arg0: i32, %arg1: i32, %arg2: memref<10000x128xf32, #tpu.memory_space<hbm>>, %arg3: memref<320000xi32, #tpu.memory_space<hbm>>, %arg4: memref<320000xi32, #tpu.memory_space<hbm>>, %arg5: memref<2x10000x128xf32, #tpu.memory_space<hbm>>, %arg6: memref<48x128xf32, #tpu.memory_space<vmem>>, %arg7: memref<128x128xf32, #tpu.memory_space<vmem>>, %arg8: memref<128xi32, #tpu.memory_space<vmem>>, %arg9: memref<128xi32, #tpu.memory_space<vmem>>, %arg10: memref<10000x128xf32, #tpu.memory_space<vmem_shared>>, %arg11: memref<!tpu.dma_semaphore, #tpu.memory_space<semaphore_mem>>) attributes {dimension_semantics = [#tpu.dimension_semantics<core_parallel>, #tpu.dimension_semantics<subcore_parallel>], iteration_bounds = array<i64: 2, 16>, scalar_prefetch = 0 : i64, scratch_operands = 6 : i64, tpu.core_type = #tpu.core_type<sc_vector_subcore>, window_params = [{transform_indices = #map}, {transform_indices = #map1}, {transform_indices = #map1}, {transform_indices = #map2}]} {
    %broadcast_in_dim3A = arith.constant 0.000000e+00 : f32
    %broadcast_in_dim3A_0 = vector.broadcast %broadcast_in_dim3A : f32 to vector<16xf32>
    %scan3A = arith.constant 0 : i32
    %scan3A_1 = arith.constant 0 : i32
    %scan3A_2 = arith.constant 48 : i32
    %scan3A_3 = arith.addi %scan3A_1, %scan3A_2 : i32
    %scan3A_4 = arith.constant 1 : i32
    %scan3A_5 = scf.for %scan3A_32 = %scan3A_1 to %scan3A_3 step %scan3A_4 iter_args(%scan3A_33 = %scan3A) -> (i32)  : i32 {
      %swap3A = arith.index_cast %scan3A_32 : i32 to index
      %swap3A_34 = arith.constant 0 : index
      %swap3A_35 = tpu.vector_load %arg6[%swap3A, %swap3A_34] {strides = array<i32>} : memref<48x128xf32, #tpu.memory_space<vmem>>, vector<1x16xf32>,
      %swap3A_36 = vector.shape_cast %swap3A_35 : vector<1x16xf32> to vector<16xf32>
      %swap3A_37 = vector.shape_cast %broadcast_in_dim3A_0 : vector<16xf32> to vector<1x16xf32>
      tpu.vector_store %arg6[%swap3A, %swap3A_34], %swap3A_37 {strides = array<i32>} : memref<48x128xf32, #tpu.memory_space<vmem>>, vector<1x16xf32>,
      %swap3A_38 = arith.index_cast %scan3A_32 : i32 to index
      %swap3A_39 = arith.constant 16 : index
      %swap3A_40 = tpu.vector_load %arg6[%swap3A_38, %swap3A_39] {strides = array<i32>} : memref<48x128xf32, #tpu.memory_space<vmem>>, vector<1x16xf32>,
      %swap3A_41 = vector.shape_cast %swap3A_40 : vector<1x16xf32> to vector<16xf32>
      %swap3A_42 = vector.shape_cast %broadcast_in_dim3A_0 : vector<16xf32> to vector<1x16xf32>
      tpu.vector_store %arg6[%swap3A_38, %swap3A_39], %swap3A_42 {strides = array<i32>} : memref<48x128xf32, #tpu.memory_space<vmem>>, vector<1x16xf32>,
      %swap3A_43 = arith.index_cast %scan3A_32 : i32 to index
      %swap3A_44 = arith.constant 32 : index
      %swap3A_45 = tpu.vector_load %arg6[%swap3A_43, %swap3A_44] {strides = array<i32>} : memref<48x128xf32, #tpu.memory_space<vmem>>, vector<1x16xf32>,
      %swap3A_46 = vector.shape_cast %swap3A_45 : vector<1x16xf32> to vector<16xf32>
      %swap3A_47 = vector.shape_cast %broadcast_in_dim3A_0 : vector<16xf32> to vector<1x16xf32>
      tpu.vector_store %arg6[%swap3A_43, %swap3A_44], %swap3A_47 {strides = array<i32>} : memref<48x128xf32, #tpu.memory_space<vmem>>, vector<1x16xf32>,
      %swap3A_48 = arith.index_cast %scan3A_32 : i32 to index
      %swap3A_49 = arith.constant 48 : index
      %swap3A_50 = tpu.vector_load %arg6[%swap3A_48, %swap3A_49] {strides = array<i32>} : memref<48x128xf32, #tpu.memory_space<vmem>>, vector<1x16xf32>,
      %swap3A_51 = vector.shape_cast %swap3A_50 : vector<1x16xf32> to vector<16xf32>
      %swap3A_52 = vector.shape_cast %broadcast_in_dim3A_0 : vector<16xf32> to vector<1x16xf32>
      tpu.vector_store %arg6[%swap3A_48, %swap3A_49], %swap3A_52 {strides = array<i32>} : memref<48x128xf32, #tpu.memory_space<vmem>>, vector<1x16xf32>,
      %swap3A_53 = arith.index_cast %scan3A_32 : i32 to index
      %swap3A_54 = arith.constant 64 : index
      %swap3A_55 = tpu.vector_load %arg6[%swap3A_53, %swap3A_54] {strides = array<i32>} : memref<48x128xf32, #tpu.memory_space<vmem>>, vector<1x16xf32>,
      %swap3A_56 = vector.shape_cast %swap3A_55 : vector<1x16xf32> to vector<16xf32>
      %swap3A_57 = vector.shape_cast %broadcast_in_dim3A_0 : vector<16xf32> to vector<1x16xf32>
      tpu.vector_store %arg6[%swap3A_53, %swap3A_54], %swap3A_57 {strides = array<i32>} : memref<48x128xf32, #tpu.memory_space<vmem>>, vector<1x16xf32>,
      %swap3A_58 = arith.index_cast %scan3A_32 : i32 to index
      %swap3A_59 = arith.constant 80 : index
      %swap3A_60 = tpu.vector_load %arg6[%swap3A_58, %swap3A_59] {strides = array<i32>} : memref<48x128xf32, #tpu.memory_space<vmem>>, vector<1x16xf32>,
      %swap3A_61 = vector.shape_cast %swap3A_60 : vector<1x16xf32> to vector<16xf32>
      %swap3A_62 = vector.shape_cast %broadcast_in_dim3A_0 : vector<16xf32> to vector<1x16xf32>
      tpu.vector_store %arg6[%swap3A_58, %swap3A_59], %swap3A_62 {strides = array<i32>} : memref<48x128xf32, #tpu.memory_space<vmem>>, vector<1x16xf32>,
      %swap3A_63 = arith.index_cast %scan3A_32 : i32 to index
      %swap3A_64 = arith.constant 96 : index
      %swap3A_65 = tpu.vector_load %arg6[%swap3A_63, %swap3A_64] {strides = array<i32>} : memref<48x128xf32, #tpu.memory_space<vmem>>, vector<1x16xf32>,
      %swap3A_66 = vector.shape_cast %swap3A_65 : vector<1x16xf32> to vector<16xf32>
      %swap3A_67 = vector.shape_cast %broadcast_in_dim3A_0 : vector<16xf32> to vector<1x16xf32>
      tpu.vector_store %arg6[%swap3A_63, %swap3A_64], %swap3A_67 {strides = array<i32>} : memref<48x128xf32, #tpu.memory_space<vmem>>, vector<1x16xf32>,
      %swap3A_68 = arith.index_cast %scan3A_32 : i32 to index
      %swap3A_69 = arith.constant 112 : index
      %swap3A_70 = tpu.vector_load %arg6[%swap3A_68, %swap3A_69] {strides = array<i32>} : memref<48x128xf32, #tpu.memory_space<vmem>>, vector<1x16xf32>,
      %swap3A_71 = vector.shape_cast %swap3A_70 : vector<1x16xf32> to vector<16xf32>
      %swap3A_72 = vector.shape_cast %broadcast_in_dim3A_0 : vector<16xf32> to vector<1x16xf32>
      tpu.vector_store %arg6[%swap3A_68, %swap3A_69], %swap3A_72 {strides = array<i32>} : memref<48x128xf32, #tpu.memory_space<vmem>>, vector<1x16xf32>,
      %scan3A_73 = arith.constant 0 : i32
      scf.yield %scan3A_73 : i32
    }
    %scan3A_6 = arith.constant 48 : i32
    %scan3A_7 = arith.constant 0 : i32
    %scan3A_8 = arith.constant 0 : i32
    %scan3A_9 = arith.constant 13 : i32
    %scan3A_10 = arith.addi %scan3A_8, %scan3A_9 : i32
    %scan3A_11 = arith.constant 1 : i32
    %scan3A_12 = scf.for %scan3A_32 = %scan3A_8 to %scan3A_10 step %scan3A_11 iter_args(%scan3A_33 = %scan3A_7) -> (i32)  : i32 {
      %mul3A_34 = arith.constant 624 : i32
      %mul3A_35 = arith.muli %arg1, %mul3A_34 : i32
      %mul3A_36 = arith.constant 48 : i32
      %mul3A_37 = arith.muli %scan3A_32, %mul3A_36 : i32
      %add3A = arith.addi %mul3A_35, %mul3A_37 : i32
      "tpu.region"() ({
        %run_scoped3A = tpu.sem_alloc : memref<!tpu.dma_semaphore, #tpu.memory_space<semaphore_mem>>
        %dma_start3A = arith.constant 0 : i32
        %dma_start3A_39 = tpu.memref_slice %arg10[%add3A, %dma_start3A] : memref<10000x128xf32, #tpu.memory_space<vmem_shared>> -> memref<48x128xf32, #tpu.memory_space<vmem_shared>>
        %dma_start3A_40 = arith.constant 0 : i32
        %dma_start3A_41 = tpu.memref_slice %arg10[%add3A, %dma_start3A_40] : memref<10000x128xf32, #tpu.memory_space<vmem_shared>> -> memref<48x128xf32, #tpu.memory_space<vmem_shared>>
        tpu.enqueue_dma source(%arg6 : memref<48x128xf32, #tpu.memory_space<vmem>>) target(%dma_start3A_41 : memref<48x128xf32, #tpu.memory_space<vmem_shared>>) target_semaphore(%run_scoped3A : memref<!tpu.dma_semaphore, #tpu.memory_space<semaphore_mem>>)
        %dma_wait3A = arith.constant 0 : i32
        %dma_wait3A_42 = tpu.memref_slice %arg10[%add3A, %dma_wait3A] : memref<10000x128xf32, #tpu.memory_space<vmem_shared>> -> memref<48x128xf32, #tpu.memory_space<vmem_shared>>
        %dma_wait3A_43 = arith.constant 0 : i32
        %dma_wait3A_44 = tpu.memref_slice %arg10[%add3A, %dma_wait3A_43] : memref<10000x128xf32, #tpu.memory_space<vmem_shared>> -> memref<48x128xf32, #tpu.memory_space<vmem_shared>>
        tpu.wait_dma2 semaphore(%run_scoped3A : memref<!tpu.dma_semaphore, #tpu.memory_space<semaphore_mem>>) src(%arg6 : memref<48x128xf32, #tpu.memory_space<vmem>>) dst(%dma_wait3A_44 : memref<48x128xf32, #tpu.memory_space<vmem_shared>>)
        tpu.yield
      }) : () -> ()
      %scan3A_38 = arith.constant 0 : i32
      scf.yield %scan3A_38 : i32
    }
    %scan3A_13 = arith.constant 13 : i32
    %eq3A = arith.constant 0 : i32
    %eq3A_14 = arith.cmpi eq, %arg1, %eq3A : i32
    %convert_element_type3A = arith.extui %eq3A_14 : i1 to i32
    %cond3A = arith.constant 0 : i32
    %cond3A_15 = arith.cmpi ne, %convert_element_type3A, %cond3A : i32
    scf.if %cond3A_15 {
      "tpu.region"() ({
        %run_scoped3A = tpu.sem_alloc : memref<!tpu.dma_semaphore, #tpu.memory_space<semaphore_mem>>
        %dma_start3A = arith.constant 0 : i32
        %dma_start3A_32 = arith.constant 0 : i32
        %dma_start3A_33 = tpu.memref_slice %arg6[%dma_start3A, %dma_start3A_32] : memref<48x128xf32, #tpu.memory_space<vmem>> -> memref<16x128xf32, #tpu.memory_space<vmem>>
        %dma_start3A_34 = arith.constant 9984 : i32
        %dma_start3A_35 = arith.constant 0 : i32
        %dma_start3A_36 = tpu.memref_slice %arg10[%dma_start3A_34, %dma_start3A_35] : memref<10000x128xf32, #tpu.memory_space<vmem_shared>> -> memref<16x128xf32, #tpu.memory_space<vmem_shared>>
        %dma_start3A_37 = arith.constant 9984 : i32
        %dma_start3A_38 = arith.constant 0 : i32
        %dma_start3A_39 = tpu.memref_slice %arg10[%dma_start3A_37, %dma_start3A_38] : memref<10000x128xf32, #tpu.memory_space<vmem_shared>> -> memref<16x128xf32, #tpu.memory_space<vmem_shared>>
        %dma_start3A_40 = arith.constant 0 : i32
        %dma_start3A_41 = arith.constant 0 : i32
        %dma_start3A_42 = tpu.memref_slice %arg6[%dma_start3A_40, %dma_start3A_41] : memref<48x128xf32, #tpu.memory_space<vmem>> -> memref<16x128xf32, #tpu.memory_space<vmem>>
        tpu.enqueue_dma source(%dma_start3A_42 : memref<16x128xf32, #tpu.memory_space<vmem>>) target(%dma_start3A_39 : memref<16x128xf32, #tpu.memory_space<vmem_shared>>) target_semaphore(%run_scoped3A : memref<!tpu.dma_semaphore, #tpu.memory_space<semaphore_mem>>)
        %dma_wait3A = arith.constant 0 : i32
        %dma_wait3A_43 = arith.constant 0 : i32
        %dma_wait3A_44 = tpu.memref_slice %arg6[%dma_wait3A, %dma_wait3A_43] : memref<48x128xf32, #tpu.memory_space<vmem>> -> memref<16x128xf32, #tpu.memory_space<vmem>>
        %dma_wait3A_45 = arith.constant 9984 : i32
        %dma_wait3A_46 = arith.constant 0 : i32
        %dma_wait3A_47 = tpu.memref_slice %arg10[%dma_wait3A_45, %dma_wait3A_46] : memref<10000x128xf32, #tpu.memory_space<vmem_shared>> -> memref<16x128xf32, #tpu.memory_space<vmem_shared>>
        %dma_wait3A_48 = arith.constant 9984 : i32
        %dma_wait3A_49 = arith.constant 0 : i32
        %dma_wait3A_50 = tpu.memref_slice %arg10[%dma_wait3A_48, %dma_wait3A_49] : memref<10000x128xf32, #tpu.memory_space<vmem_shared>> -> memref<16x128xf32, #tpu.memory_space<vmem_shared>>
        %dma_wait3A_51 = arith.constant 0 : i32
        %dma_wait3A_52 = arith.constant 0 : i32
        %dma_wait3A_53 = tpu.memref_slice %arg6[%dma_wait3A_51, %dma_wait3A_52] : memref<48x128xf32, #tpu.memory_space<vmem>> -> memref<16x128xf32, #tpu.memory_space<vmem>>
        tpu.wait_dma2 semaphore(%run_scoped3A : memref<!tpu.dma_semaphore, #tpu.memory_space<semaphore_mem>>) src(%dma_wait3A_53 : memref<16x128xf32, #tpu.memory_space<vmem>>) dst(%dma_wait3A_50 : memref<16x128xf32, #tpu.memory_space<vmem_shared>>)
        tpu.yield
      }) : () -> ()
    } else {
    }
    %barrier3A = arith.constant 0 : index
    tpu.barrier barrier_id(%barrier3A)
    %scan3A_16 = arith.constant 0 : i32
    %scan3A_17 = arith.constant 0 : i32
    %scan3A_18 = arith.constant 79 : i32
    %scan3A_19 = arith.addi %scan3A_17, %scan3A_18 : i32
    %scan3A_20 = arith.constant 1 : i32
    %scan3A_21 = scf.for %scan3A_32 = %scan3A_17 to %scan3A_19 step %scan3A_20 iter_args(%scan3A_33 = %scan3A_16) -> (i32)  : i32 {
      %mul3A_34 = arith.constant 16 : i32
      %mul3A_35 = arith.muli %mul3A_34, %scan3A_32 : i32
      %add3A = arith.addi %arg1, %mul3A_35 : i32
      %lt3A = arith.constant 1250 : i32
      %lt3A_36 = arith.cmpi slt, %add3A, %lt3A : i32
      %convert_element_type3A_37 = arith.extui %lt3A_36 : i1 to i32
      %cond3A_38 = arith.constant 0 : i32
      %cond3A_39 = arith.cmpi ne, %convert_element_type3A_37, %cond3A_38 : i32
      scf.if %cond3A_39 {
        %mul3A_41 = arith.constant 1250 : i32
        %mul3A_42 = arith.muli %arg0, %mul3A_41 : i32
        %add3A_43 = arith.addi %mul3A_42, %add3A : i32
        %mul3A_44 = arith.constant 128 : i32
        %mul3A_45 = arith.muli %add3A_43, %mul3A_44 : i32
        "tpu.region"() ({
          %run_scoped3A = tpu.sem_alloc : memref<!tpu.dma_semaphore, #tpu.memory_space<semaphore_mem>>
          %dma_start3A_50 = tpu.memref_slice %arg3[%mul3A_45] : memref<320000xi32, #tpu.memory_space<hbm>> -> memref<128xi32, #tpu.memory_space<hbm>>
          %dma_start3A_51 = tpu.memref_slice %arg3[%mul3A_45] : memref<320000xi32, #tpu.memory_space<hbm>> -> memref<128xi32, #tpu.memory_space<hbm>>
          tpu.enqueue_dma source(%dma_start3A_51 : memref<128xi32, #tpu.memory_space<hbm>>) target(%arg8 : memref<128xi32, #tpu.memory_space<vmem>>) target_semaphore(%run_scoped3A : memref<!tpu.dma_semaphore, #tpu.memory_space<semaphore_mem>>)
          %dma_wait3A_52 = tpu.memref_slice %arg3[%mul3A_45] : memref<320000xi32, #tpu.memory_space<hbm>> -> memref<128xi32, #tpu.memory_space<hbm>>
          %dma_wait3A_53 = tpu.memref_slice %arg3[%mul3A_45] : memref<320000xi32, #tpu.memory_space<hbm>> -> memref<128xi32, #tpu.memory_space<hbm>>
          tpu.wait_dma2 semaphore(%run_scoped3A : memref<!tpu.dma_semaphore, #tpu.memory_space<semaphore_mem>>) src(%dma_wait3A_53 : memref<128xi32, #tpu.memory_space<hbm>>) dst(%arg8 : memref<128xi32, #tpu.memory_space<vmem>>)
          tpu.yield
        }) : () -> ()
        "tpu.region"() ({
          %run_scoped3A = tpu.sem_alloc : memref<!tpu.dma_semaphore, #tpu.memory_space<semaphore_mem>>
          %dma_start3A_50 = tpu.memref_slice %arg4[%mul3A_45] : memref<320000xi32, #tpu.memory_space<hbm>> -> memref<128xi32, #tpu.memory_space<hbm>>
          %dma_start3A_51 = tpu.memref_slice %arg4[%mul3A_45] : memref<320000xi32, #tpu.memory_space<hbm>> -> memref<128xi32, #tpu.memory_space<hbm>>
          tpu.enqueue_dma source(%dma_start3A_51 : memref<128xi32, #tpu.memory_space<hbm>>) target(%arg9 : memref<128xi32, #tpu.memory_space<vmem>>) target_semaphore(%run_scoped3A : memref<!tpu.dma_semaphore, #tpu.memory_space<semaphore_mem>>)
          %dma_wait3A_52 = tpu.memref_slice %arg4[%mul3A_45] : memref<320000xi32, #tpu.memory_space<hbm>> -> memref<128xi32, #tpu.memory_space<hbm>>
          %dma_wait3A_53 = tpu.memref_slice %arg4[%mul3A_45] : memref<320000xi32, #tpu.memory_space<hbm>> -> memref<128xi32, #tpu.memory_space<hbm>>
          tpu.wait_dma2 semaphore(%run_scoped3A : memref<!tpu.dma_semaphore, #tpu.memory_space<semaphore_mem>>) src(%dma_wait3A_53 : memref<128xi32, #tpu.memory_space<hbm>>) dst(%arg9 : memref<128xi32, #tpu.memory_space<vmem>>)
          tpu.yield
        }) : () -> ()
        %dma_start3A = arith.constant 0 : i32
        %dma_start3A_46 = arith.constant 0 : i32
        %dma_start3A_47 = tpu.memref_slice %arg2[%dma_start3A, %dma_start3A_46] : memref<10000x128xf32, #tpu.memory_space<hbm>> -> memref<10000x128xf32, #tpu.memory_space<hbm>>
        tpu.enqueue_indirect_dma source(%dma_start3A_47 : memref<10000x128xf32, #tpu.memory_space<hbm>>) target(%arg7 : memref<128x128xf32, #tpu.memory_space<vmem>>) offsets(%arg8 : memref<128xi32, #tpu.memory_space<vmem>>) semaphore(%arg11 : memref<!tpu.dma_semaphore, #tpu.memory_space<semaphore_mem>>)
        %dma_wait3A = arith.constant 0 : i32
        %dma_wait3A_48 = arith.constant 0 : i32
        %dma_wait3A_49 = tpu.memref_slice %arg2[%dma_wait3A, %dma_wait3A_48] : memref<10000x128xf32, #tpu.memory_space<hbm>> -> memref<10000x128xf32, #tpu.memory_space<hbm>>
        tpu.wait_indirect_dma semaphore(%arg11 : memref<!tpu.dma_semaphore, #tpu.memory_space<semaphore_mem>>) src(%dma_wait3A_49 : memref<10000x128xf32, #tpu.memory_space<hbm>>) dst(%arg7 : memref<128x128xf32, #tpu.memory_space<vmem>>)
        "tpu.region"() ({
          %run_scoped3A = tpu.sem_alloc : memref<!tpu.dma_semaphore, #tpu.memory_space<semaphore_mem>>
          %dma_start3A_50 = arith.constant 0 : i32
          %dma_start3A_51 = arith.constant 0 : i32
          %dma_start3A_52 = tpu.memref_slice %arg10[%dma_start3A_50, %dma_start3A_51] : memref<10000x128xf32, #tpu.memory_space<vmem_shared>> -> memref<10000x128xf32, #tpu.memory_space<vmem_shared>>
          tpu.enqueue_indirect_dma source(%arg7 : memref<128x128xf32, #tpu.memory_space<vmem>>) target(%dma_start3A_52 : memref<10000x128xf32, #tpu.memory_space<vmem_shared>>) offsets(%arg9 : memref<128xi32, #tpu.memory_space<vmem>>) semaphore(%run_scoped3A : memref<!tpu.dma_semaphore, #tpu.memory_space<semaphore_mem>>) {add = true}
          %dma_wait3A_53 = arith.constant 0 : i32
          %dma_wait3A_54 = arith.constant 0 : i32
          %dma_wait3A_55 = tpu.memref_slice %arg10[%dma_wait3A_53, %dma_wait3A_54] : memref<10000x128xf32, #tpu.memory_space<vmem_shared>> -> memref<10000x128xf32, #tpu.memory_space<vmem_shared>>
          tpu.wait_indirect_dma semaphore(%run_scoped3A : memref<!tpu.dma_semaphore, #tpu.memory_space<semaphore_mem>>) src(%arg7 : memref<128x128xf32, #tpu.memory_space<vmem>>) dst(%dma_wait3A_55 : memref<10000x128xf32, #tpu.memory_space<vmem_shared>>)
          tpu.yield
        }) : () -> ()
      } else {
      }
      %scan3A_40 = arith.constant 0 : i32
      scf.yield %scan3A_40 : i32
    }
    %scan3A_22 = arith.constant 79 : i32
    %barrier3A_23 = arith.constant 0 : index
    tpu.barrier barrier_id(%barrier3A_23)
    %mul3A = arith.constant 624 : i32
    %mul3A_24 = arith.muli %arg1, %mul3A : i32
    %mul3A_25 = arith.constant 624 : i32
    %mul3A_26 = arith.muli %arg1, %mul3A_25 : i32
    "tpu.region"() ({
      %run_scoped3A = tpu.sem_alloc : memref<!tpu.dma_semaphore, #tpu.memory_space<semaphore_mem>>
      %dma_start3A = arith.constant 0 : i32
      %dma_start3A_32 = tpu.memref_slice %arg5[%arg0, %mul3A_26, %dma_start3A] : memref<2x10000x128xf32, #tpu.memory_space<hbm>> -> memref<1x624x128xf32, #tpu.memory_space<hbm>>
      %dma_start3A_33 = tpu.memref_squeeze %dma_start3A_32 : memref<1x624x128xf32, #tpu.memory_space<hbm>> -> memref<624x128xf32, #tpu.memory_space<hbm>>
      %dma_start3A_34 = arith.constant 0 : i32
      %dma_start3A_35 = tpu.memref_slice %arg10[%mul3A_24, %dma_start3A_34] : memref<10000x128xf32, #tpu.memory_space<vmem_shared>> -> memref<624x128xf32, #tpu.memory_space<vmem_shared>>
      tpu.enqueue_dma source(%dma_start3A_35 : memref<624x128xf32, #tpu.memory_space<vmem_shared>>) target(%dma_start3A_33 : memref<624x128xf32, #tpu.memory_space<hbm>>) target_semaphore(%run_scoped3A : memref<!tpu.dma_semaphore, #tpu.memory_space<semaphore_mem>>)
      %dma_wait3A = arith.constant 0 : i32
      %dma_wait3A_36 = tpu.memref_slice %arg5[%arg0, %mul3A_26, %dma_wait3A] : memref<2x10000x128xf32, #tpu.memory_space<hbm>> -> memref<1x624x128xf32, #tpu.memory_space<hbm>>
      %dma_wait3A_37 = tpu.memref_squeeze %dma_wait3A_36 : memref<1x624x128xf32, #tpu.memory_space<hbm>> -> memref<624x128xf32, #tpu.memory_space<hbm>>
      %dma_wait3A_38 = arith.constant 0 : i32
      %dma_wait3A_39 = tpu.memref_slice %arg10[%mul3A_24, %dma_wait3A_38] : memref<10000x128xf32, #tpu.memory_space<vmem_shared>> -> memref<624x128xf32, #tpu.memory_space<vmem_shared>>
      tpu.wait_dma2 semaphore(%run_scoped3A : memref<!tpu.dma_semaphore, #tpu.memory_space<semaphore_mem>>) src(%dma_wait3A_39 : memref<624x128xf32, #tpu.memory_space<vmem_shared>>) dst(%dma_wait3A_37 : memref<624x128xf32, #tpu.memory_space<hbm>>)
      tpu.yield
    }) : () -> ()
    %eq3A_27 = arith.constant 0 : i32
    %eq3A_28 = arith.cmpi eq, %arg1, %eq3A_27 : i32
    %convert_element_type3A_29 = arith.extui %eq3A_28 : i1 to i32
    %cond3A_30 = arith.constant 0 : i32
    %cond3A_31 = arith.cmpi ne, %convert_element_type3A_29, %cond3A_30 : i32
    scf.if %cond3A_31 {
      "tpu.region"() ({
        %run_scoped3A = tpu.sem_alloc : memref<!tpu.dma_semaphore, #tpu.memory_space<semaphore_mem>>
        %dma_start3A = arith.constant 9984 : i32
        %dma_start3A_32 = arith.constant 0 : i32
        %dma_start3A_33 = tpu.memref_slice %arg5[%arg0, %dma_start3A, %dma_start3A_32] : memref<2x10000x128xf32, #tpu.memory_space<hbm>> -> memref<1x16x128xf32, #tpu.memory_space<hbm>>
        %dma_start3A_34 = tpu.memref_squeeze %dma_start3A_33 : memref<1x16x128xf32, #tpu.memory_space<hbm>> -> memref<16x128xf32, #tpu.memory_space<hbm>>
        %dma_start3A_35 = arith.constant 9984 : i32
        %dma_start3A_36 = arith.constant 0 : i32
        %dma_start3A_37 = tpu.memref_slice %arg10[%dma_start3A_35, %dma_start3A_36] : memref<10000x128xf32, #tpu.memory_space<vmem_shared>> -> memref<16x128xf32, #tpu.memory_space<vmem_shared>>
        tpu.enqueue_dma source(%dma_start3A_37 : memref<16x128xf32, #tpu.memory_space<vmem_shared>>) target(%dma_start3A_34 : memref<16x128xf32, #tpu.memory_space<hbm>>) target_semaphore(%run_scoped3A : memref<!tpu.dma_semaphore, #tpu.memory_space<semaphore_mem>>)
        %dma_wait3A = arith.constant 9984 : i32
        %dma_wait3A_38 = arith.constant 0 : i32
        %dma_wait3A_39 = tpu.memref_slice %arg5[%arg0, %dma_wait3A, %dma_wait3A_38] : memref<2x10000x128xf32, #tpu.memory_space<hbm>> -> memref<1x16x128xf32, #tpu.memory_space<hbm>>
        %dma_wait3A_40 = tpu.memref_squeeze %dma_wait3A_39 : memref<1x16x128xf32, #tpu.memory_space<hbm>> -> memref<16x128xf32, #tpu.memory_space<hbm>>
        %dma_wait3A_41 = arith.constant 9984 : i32
        %dma_wait3A_42 = arith.constant 0 : i32
        %dma_wait3A_43 = tpu.memref_slice %arg10[%dma_wait3A_41, %dma_wait3A_42] : memref<10000x128xf32, #tpu.memory_space<vmem_shared>> -> memref<16x128xf32, #tpu.memory_space<vmem_shared>>
        tpu.wait_dma2 semaphore(%run_scoped3A : memref<!tpu.dma_semaphore, #tpu.memory_space<semaphore_mem>>) src(%dma_wait3A_43 : memref<16x128xf32, #tpu.memory_space<vmem_shared>>) dst(%dma_wait3A_40 : memref<16x128xf32, #tpu.memory_space<hbm>>)
        tpu.yield
      }) : () -> ()
    } else {
    }
    return
  }
}

module attributes {stable_mosaic.version = 14 : i64} {
  func.func @body(%arg0: i32, %arg1: memref<2x1000x128xf32, #tpu.memory_space<vmem>>, %arg2: memref<1000x128xf32, #tpu.memory_space<vmem>>, %arg3: memref<128x128xf32, #tpu.memory_space<vmem>>, %arg4: memref<128x128xf32, #tpu.memory_space<vmem>>, %arg5: memref<1x128xf32, #tpu.memory_space<vmem>>, %arg6: memref<1x128xf32, #tpu.memory_space<vmem>>, %arg7: memref<1x128xf32, #tpu.memory_space<vmem>>, %arg8: memref<1000x128xf32, #tpu.memory_space<vmem>>) attributes {dimension_semantics = [#tpu.dimension_semantics<arbitrary>], iteration_bounds = array<i64: 10>, scalar_prefetch = 0 : i64, scratch_operands = 0 : i64, tpu.core_type = #tpu.core_type<tc>, window_params = [{transform_indices = @transform_0, window_bounds = array<i64: 2, 1000, 128>}, {transform_indices = @transform_1, window_bounds = array<i64: 1000, 128>}, {pipeline_mode = #tpu.pipeline_mode<synchronous>, transform_indices = @transform_2, window_bounds = array<i64: 128, 128>}, {pipeline_mode = #tpu.pipeline_mode<synchronous>, transform_indices = @transform_3, window_bounds = array<i64: 128, 128>}, {pipeline_mode = #tpu.pipeline_mode<synchronous>, transform_indices = @transform_4, window_bounds = array<i64: 1, 128>}, {pipeline_mode = #tpu.pipeline_mode<synchronous>, transform_indices = @transform_5, window_bounds = array<i64: 1, 128>}, {pipeline_mode = #tpu.pipeline_mode<synchronous>, transform_indices = @transform_6, window_bounds = array<i64: 1, 128>}, {transform_indices = @transform_7, window_bounds = array<i64: 1000, 128>}]} {
    %get3A = arith.constant 0 : index
    %get3A_0 = arith.constant 0 : index
    %get3A_1 = arith.constant 0 : index
    %get3A_2 = vector.load %arg1[%get3A, %get3A_0, %get3A_1] : memref<2x1000x128xf32, #tpu.memory_space<vmem>>, vector<1x1000x128xf32>
    %get3A_3 = vector.shape_cast %get3A_2 : vector<1x1000x128xf32> to vector<1000x128xf32>
    %get3A_4 = arith.constant 1 : index
    %get3A_5 = arith.constant 0 : index
    %get3A_6 = arith.constant 0 : index
    %get3A_7 = vector.load %arg1[%get3A_4, %get3A_5, %get3A_6] : memref<2x1000x128xf32, #tpu.memory_space<vmem>>, vector<1x1000x128xf32>
    %get3A_8 = vector.shape_cast %get3A_7 : vector<1x1000x128xf32> to vector<1000x128xf32>
    %add3A = arith.addf %get3A_3, %get3A_8 : vector<1000x128xf32>
    %get3A_9 = arith.constant 0 : index
    %get3A_10 = arith.constant 0 : index
    %get3A_11 = vector.load %arg3[%get3A_9, %get3A_10] : memref<128x128xf32, #tpu.memory_space<vmem>>, vector<128x128xf32>
    %dot_general3A = arith.constant dense<0.000000e+00> : vector<1000x128xf32>
    %dot_general3A_12 = tpu.matmul %add3A, %get3A_11, %dot_general3A {dimension_numbers = #tpu.dot_dimension_numbers<[1], [0], [0], [1], [0, 0, 1, 1], [], []>, transpose_lhs_hint = false} : vector<1000x128xf32>, vector<128x128xf32>, vector<1000x128xf32> -> vector<1000x128xf32>
    %get3A_13 = arith.constant 0 : index
    %get3A_14 = arith.constant 0 : index
    %get3A_15 = vector.load %arg2[%get3A_13, %get3A_14] : memref<1000x128xf32, #tpu.memory_space<vmem>>, vector<1000x128xf32>
    %get3A_16 = arith.constant 0 : index
    %get3A_17 = arith.constant 0 : index
    %get3A_18 = vector.load %arg4[%get3A_16, %get3A_17] : memref<128x128xf32, #tpu.memory_space<vmem>>, vector<128x128xf32>
    %dot_general3A_19 = arith.constant dense<0.000000e+00> : vector<1000x128xf32>
    %dot_general3A_20 = tpu.matmul %get3A_15, %get3A_18, %dot_general3A_19 {dimension_numbers = #tpu.dot_dimension_numbers<[1], [0], [0], [1], [0, 0, 1, 1], [], []>, transpose_lhs_hint = false} : vector<1000x128xf32>, vector<128x128xf32>, vector<1000x128xf32> -> vector<1000x128xf32>
    %add3A_21 = arith.addf %dot_general3A_12, %dot_general3A_20 : vector<1000x128xf32>
    %get3A_22 = arith.constant 0 : index
    %get3A_23 = arith.constant 0 : index
    %get3A_24 = vector.load %arg5[%get3A_22, %get3A_23] : memref<1x128xf32, #tpu.memory_space<vmem>>, vector<1x128xf32>
    %add3A_25 = vector.broadcast %get3A_24 : vector<1x128xf32> to vector<1000x128xf32>
    %add3A_26 = arith.addf %add3A_21, %add3A_25 : vector<1000x128xf32>
    %mul3A = arith.mulf %add3A_26, %add3A_26 : vector<1000x128xf32>
    %reduce_sum3A = arith.constant dense<0.000000e+00> : vector<1000xf32>
    %reduce_sum3A_27 = vector.multi_reduction <add>, %mul3A, %reduce_sum3A [1] : vector<1000x128xf32> to vector<1000xf32>
    %broadcast_in_dim3A = vector.shape_cast %reduce_sum3A_27 : vector<1000xf32> to vector<1000x1xf32>
    %sqrt3A = math.sqrt %broadcast_in_dim3A : vector<1000x1xf32>
    %max3A = arith.constant 9.99999996E-13 : f32
    %max3A_28 = vector.broadcast %max3A : f32 to vector<1000x1xf32>
    %max3A_29 = arith.maximumf %sqrt3A, %max3A_28 : vector<1000x1xf32>
    %div3A = vector.broadcast %max3A_29 : vector<1000x1xf32> to vector<1000x128xf32>
    %div3A_30 = arith.divf %add3A_26, %div3A : vector<1000x128xf32>
    %get3A_31 = arith.constant 0 : index
    %get3A_32 = arith.constant 0 : index
    %get3A_33 = vector.load %arg6[%get3A_31, %get3A_32] : memref<1x128xf32, #tpu.memory_space<vmem>>, vector<1x128xf32>
    %mul3A_34 = vector.broadcast %get3A_33 : vector<1x128xf32> to vector<1000x128xf32>
    %mul3A_35 = arith.mulf %div3A_30, %mul3A_34 : vector<1000x128xf32>
    %get3A_36 = arith.constant 0 : index
    %get3A_37 = arith.constant 0 : index
    %get3A_38 = vector.load %arg7[%get3A_36, %get3A_37] : memref<1x128xf32, #tpu.memory_space<vmem>>, vector<1x128xf32>
    %add3A_39 = vector.broadcast %get3A_38 : vector<1x128xf32> to vector<1000x128xf32>
    %add3A_40 = arith.addf %mul3A_35, %add3A_39 : vector<1000x128xf32>
    %max3A_41 = arith.constant 0.000000e+00 : f32
    %max3A_42 = vector.broadcast %max3A_41 : f32 to vector<1000x128xf32>
    %max3A_43 = arith.maximumf %add3A_40, %max3A_42 : vector<1000x128xf32>
    %swap3A = arith.constant 0 : index
    %swap3A_44 = arith.constant 0 : index
    %swap3A_45 = vector.load %arg8[%swap3A, %swap3A_44] : memref<1000x128xf32, #tpu.memory_space<vmem>>, vector<1000x128xf32>
    tpu.vector_store %arg8[%swap3A, %swap3A_44], %max3A_43 {strides = array<i32>} : memref<1000x128xf32, #tpu.memory_space<vmem>>, vector<1000x128xf32>,
    return
  }
  func.func @transform_0(%arg0: i32) -> (i32, i32, i32) {
    %c0_i32 = arith.constant 0 : i32
    %c0_i32_0 = arith.constant 0 : i32
    %c0_i32_1 = arith.constant 0 : i32
    return %c0_i32, %arg0, %c0_i32_0 : i32, i32, i32
  }
  func.func @transform_1(%arg0: i32) -> (i32, i32) {
    %c0_i32 = arith.constant 0 : i32
    %c0_i32_0 = arith.constant 0 : i32
    return %arg0, %c0_i32 : i32, i32
  }
  func.func @transform_2(%arg0: i32) -> (i32, i32) {
    %c0_i32 = arith.constant 0 : i32
    %c0_i32_0 = arith.constant 0 : i32
    %c0_i32_1 = arith.constant 0 : i32
    return %c0_i32, %c0_i32_0 : i32, i32
  }
  func.func @transform_3(%arg0: i32) -> (i32, i32) {
    %c0_i32 = arith.constant 0 : i32
    %c0_i32_0 = arith.constant 0 : i32
    %c0_i32_1 = arith.constant 0 : i32
    return %c0_i32, %c0_i32_0 : i32, i32
  }
  func.func @transform_4(%arg0: i32) -> (i32, i32) {
    %c0_i32 = arith.constant 0 : i32
    %c0_i32_0 = arith.constant 0 : i32
    %c0_i32_1 = arith.constant 0 : i32
    return %c0_i32, %c0_i32_0 : i32, i32
  }
  func.func @transform_5(%arg0: i32) -> (i32, i32) {
    %c0_i32 = arith.constant 0 : i32
    %c0_i32_0 = arith.constant 0 : i32
    %c0_i32_1 = arith.constant 0 : i32
    return %c0_i32, %c0_i32_0 : i32, i32
  }
  func.func @transform_6(%arg0: i32) -> (i32, i32) {
    %c0_i32 = arith.constant 0 : i32
    %c0_i32_0 = arith.constant 0 : i32
    %c0_i32_1 = arith.constant 0 : i32
    return %c0_i32, %c0_i32_0 : i32, i32
  }
  func.func @transform_7(%arg0: i32) -> (i32, i32) {
    %c0_i32 = arith.constant 0 : i32
    %c0_i32_0 = arith.constant 0 : i32
    return %arg0, %c0_i32 : i32, i32
  }
}

module attributes {stable_mosaic.version = 14 : i64} {
  func.func @body(%arg0: i32, %arg1: memref<2x1000x128xf32, #tpu.memory_space<vmem>>, %arg2: memref<1000x128xf32, #tpu.memory_space<vmem>>, %arg3: memref<128x128xf32, #tpu.memory_space<vmem>>, %arg4: memref<128x128xf32, #tpu.memory_space<vmem>>, %arg5: memref<1x128xf32, #tpu.memory_space<vmem>>, %arg6: memref<1x128xf32, #tpu.memory_space<vmem>>, %arg7: memref<1x128xf32, #tpu.memory_space<vmem>>, %arg8: memref<1000x128xf32, #tpu.memory_space<vmem>>) attributes {dimension_semantics = [#tpu.dimension_semantics<arbitrary>], iteration_bounds = array<i64: 10>, scalar_prefetch = 0 : i64, scratch_operands = 0 : i64, tpu.core_type = #tpu.core_type<tc>, window_params = [{transform_indices = @transform_0, window_bounds = array<i64: 2, 1000, 128>}, {transform_indices = @transform_1, window_bounds = array<i64: 1000, 128>}, {pipeline_mode = #tpu.pipeline_mode<synchronous>, transform_indices = @transform_2, window_bounds = array<i64: 128, 128>}, {pipeline_mode = #tpu.pipeline_mode<synchronous>, transform_indices = @transform_3, window_bounds = array<i64: 128, 128>}, {pipeline_mode = #tpu.pipeline_mode<synchronous>, transform_indices = @transform_4, window_bounds = array<i64: 1, 128>}, {pipeline_mode = #tpu.pipeline_mode<synchronous>, transform_indices = @transform_5, window_bounds = array<i64: 1, 128>}, {pipeline_mode = #tpu.pipeline_mode<synchronous>, transform_indices = @transform_6, window_bounds = array<i64: 1, 128>}, {transform_indices = @transform_7, window_bounds = array<i64: 1000, 128>}]} {
    %get3A = arith.constant 0 : index
    %get3A_0 = arith.constant 0 : index
    %get3A_1 = arith.constant 0 : index
    %get3A_2 = vector.load %arg1[%get3A, %get3A_0, %get3A_1] : memref<2x1000x128xf32, #tpu.memory_space<vmem>>, vector<1x1000x128xf32>
    %get3A_3 = vector.shape_cast %get3A_2 : vector<1x1000x128xf32> to vector<1000x128xf32>
    %get3A_4 = arith.constant 1 : index
    %get3A_5 = arith.constant 0 : index
    %get3A_6 = arith.constant 0 : index
    %get3A_7 = vector.load %arg1[%get3A_4, %get3A_5, %get3A_6] : memref<2x1000x128xf32, #tpu.memory_space<vmem>>, vector<1x1000x128xf32>
    %get3A_8 = vector.shape_cast %get3A_7 : vector<1x1000x128xf32> to vector<1000x128xf32>
    %add3A = arith.addf %get3A_3, %get3A_8 : vector<1000x128xf32>
    %get3A_9 = arith.constant 0 : index
    %get3A_10 = arith.constant 0 : index
    %get3A_11 = vector.load %arg3[%get3A_9, %get3A_10] : memref<128x128xf32, #tpu.memory_space<vmem>>, vector<128x128xf32>
    %dot_general3A = arith.constant dense<0.000000e+00> : vector<1000x128xf32>
    %dot_general3A_12 = tpu.matmul %add3A, %get3A_11, %dot_general3A {dimension_numbers = #tpu.dot_dimension_numbers<[1], [0], [0], [1], [0, 0, 1, 1], [], []>, transpose_lhs_hint = false} : vector<1000x128xf32>, vector<128x128xf32>, vector<1000x128xf32> -> vector<1000x128xf32>
    %get3A_13 = arith.constant 0 : index
    %get3A_14 = arith.constant 0 : index
    %get3A_15 = vector.load %arg2[%get3A_13, %get3A_14] : memref<1000x128xf32, #tpu.memory_space<vmem>>, vector<1000x128xf32>
    %get3A_16 = arith.constant 0 : index
    %get3A_17 = arith.constant 0 : index
    %get3A_18 = vector.load %arg4[%get3A_16, %get3A_17] : memref<128x128xf32, #tpu.memory_space<vmem>>, vector<128x128xf32>
    %dot_general3A_19 = arith.constant dense<0.000000e+00> : vector<1000x128xf32>
    %dot_general3A_20 = tpu.matmul %get3A_15, %get3A_18, %dot_general3A_19 {dimension_numbers = #tpu.dot_dimension_numbers<[1], [0], [0], [1], [0, 0, 1, 1], [], []>, transpose_lhs_hint = false} : vector<1000x128xf32>, vector<128x128xf32>, vector<1000x128xf32> -> vector<1000x128xf32>
    %add3A_21 = arith.addf %dot_general3A_12, %dot_general3A_20 : vector<1000x128xf32>
    %get3A_22 = arith.constant 0 : index
    %get3A_23 = arith.constant 0 : index
    %get3A_24 = vector.load %arg5[%get3A_22, %get3A_23] : memref<1x128xf32, #tpu.memory_space<vmem>>, vector<1x128xf32>
    %add3A_25 = vector.broadcast %get3A_24 : vector<1x128xf32> to vector<1000x128xf32>
    %add3A_26 = arith.addf %add3A_21, %add3A_25 : vector<1000x128xf32>
    %mul3A = arith.mulf %add3A_26, %add3A_26 : vector<1000x128xf32>
    %reduce_sum3A = arith.constant dense<0.000000e+00> : vector<1000xf32>
    %reduce_sum3A_27 = vector.multi_reduction <add>, %mul3A, %reduce_sum3A [1] : vector<1000x128xf32> to vector<1000xf32>
    %broadcast_in_dim3A = vector.shape_cast %reduce_sum3A_27 : vector<1000xf32> to vector<1000x1xf32>
    %sqrt3A = math.sqrt %broadcast_in_dim3A : vector<1000x1xf32>
    %max3A = arith.constant 9.99999996E-13 : f32
    %max3A_28 = vector.broadcast %max3A : f32 to vector<1000x1xf32>
    %max3A_29 = arith.maximumf %sqrt3A, %max3A_28 : vector<1000x1xf32>
    %div3A = vector.broadcast %max3A_29 : vector<1000x1xf32> to vector<1000x128xf32>
    %div3A_30 = arith.divf %add3A_26, %div3A : vector<1000x128xf32>
    %get3A_31 = arith.constant 0 : index
    %get3A_32 = arith.constant 0 : index
    %get3A_33 = vector.load %arg6[%get3A_31, %get3A_32] : memref<1x128xf32, #tpu.memory_space<vmem>>, vector<1x128xf32>
    %mul3A_34 = vector.broadcast %get3A_33 : vector<1x128xf32> to vector<1000x128xf32>
    %mul3A_35 = arith.mulf %div3A_30, %mul3A_34 : vector<1000x128xf32>
    %get3A_36 = arith.constant 0 : index
    %get3A_37 = arith.constant 0 : index
    %get3A_38 = vector.load %arg7[%get3A_36, %get3A_37] : memref<1x128xf32, #tpu.memory_space<vmem>>, vector<1x128xf32>
    %add3A_39 = vector.broadcast %get3A_38 : vector<1x128xf32> to vector<1000x128xf32>
    %add3A_40 = arith.addf %mul3A_35, %add3A_39 : vector<1000x128xf32>
    %swap3A = arith.constant 0 : index
    %swap3A_41 = arith.constant 0 : index
    %swap3A_42 = vector.load %arg8[%swap3A, %swap3A_41] : memref<1000x128xf32, #tpu.memory_space<vmem>>, vector<1000x128xf32>
    tpu.vector_store %arg8[%swap3A, %swap3A_41], %add3A_40 {strides = array<i32>} : memref<1000x128xf32, #tpu.memory_space<vmem>>, vector<1000x128xf32>,
    return
  }
  func.func @transform_0(%arg0: i32) -> (i32, i32, i32) {
    %c0_i32 = arith.constant 0 : i32
    %c0_i32_0 = arith.constant 0 : i32
    %c0_i32_1 = arith.constant 0 : i32
    return %c0_i32, %arg0, %c0_i32_0 : i32, i32, i32
  }
  func.func @transform_1(%arg0: i32) -> (i32, i32) {
    %c0_i32 = arith.constant 0 : i32
    %c0_i32_0 = arith.constant 0 : i32
    return %arg0, %c0_i32 : i32, i32
  }
  func.func @transform_2(%arg0: i32) -> (i32, i32) {
    %c0_i32 = arith.constant 0 : i32
    %c0_i32_0 = arith.constant 0 : i32
    %c0_i32_1 = arith.constant 0 : i32
    return %c0_i32, %c0_i32_0 : i32, i32
  }
  func.func @transform_3(%arg0: i32) -> (i32, i32) {
    %c0_i32 = arith.constant 0 : i32
    %c0_i32_0 = arith.constant 0 : i32
    %c0_i32_1 = arith.constant 0 : i32
    return %c0_i32, %c0_i32_0 : i32, i32
  }
  func.func @transform_4(%arg0: i32) -> (i32, i32) {
    %c0_i32 = arith.constant 0 : i32
    %c0_i32_0 = arith.constant 0 : i32
    %c0_i32_1 = arith.constant 0 : i32
    return %c0_i32, %c0_i32_0 : i32, i32
  }
  func.func @transform_5(%arg0: i32) -> (i32, i32) {
    %c0_i32 = arith.constant 0 : i32
    %c0_i32_0 = arith.constant 0 : i32
    %c0_i32_1 = arith.constant 0 : i32
    return %c0_i32, %c0_i32_0 : i32, i32
  }
  func.func @transform_6(%arg0: i32) -> (i32, i32) {
    %c0_i32 = arith.constant 0 : i32
    %c0_i32_0 = arith.constant 0 : i32
    %c0_i32_1 = arith.constant 0 : i32
    return %c0_i32, %c0_i32_0 : i32, i32
  }
  func.func @transform_7(%arg0: i32) -> (i32, i32) {
    %c0_i32 = arith.constant 0 : i32
    %c0_i32_0 = arith.constant 0 : i32
    return %arg0, %c0_i32 : i32, i32
  }
}

</mosaic_0001>

<sc_bundles>
// kernel: kernel.6.cloned.1.call-start
scs
__scs_entry_jumppad:
0x0: {  	(pc) =	sbr.rel $0x88, $3  }
0x1: {  	(tag) =	ssettag $0x0;
	lr =	simm.s32 $0x1  }
0x2: {  	[smem:$0x3F91] =	sst lr;
	_ =	strace $0xD0000000  }
0x3: {  	_ = 	snop  }
0x4: {  	_ = 	snop  }
0x5: {  	_ = 	snop  }
0x6: {  	_ = 	snop  }
0x7: {  	_ = 	snop  }
__scs_overlays_trampoline_lowered:
0x8: {  	[smem:$0x3FA0] =	sst s0  }
0x9: {  	[smem:$0x3FA1] =	sst s1  }
0xa: {  	[smem:$0x3FA2] =	sst s2  }
0xb: {  	[smem:$0x3FA3] =	sst s3  }
0xc: {  	[smem:$0x3FA4] =	sst s4  }
0xd: {  	[smem:$0x3FA5] =	sst s5  }
0xe: {  	[smem:$0x3FA6] =	sst s6  }
0xf: {  	[smem:$0x3FA7] =	sst s7  }
0x10: {  	[smem:$0x3FA8] =	sst s8  }
0x11: {  	[smem:$0x3FA9] =	sst s9;
	s0 =	simm.s32 @!p0 $0x0  }
0x12: {  	s1 =	sld [smem:$0x3F8F];
	s0 =	simm.s32 @p0 $0x1  }
0x13: {  	[smem:$0x3FAA] =	sst s0;
	s0 =	simm.s32 @!p1 $0x0  }
0x14: {  	s2 =	sld [smem:$0x3F8E];
	s0 =	simm.s32 @p1 $0x1  }
0x15: {  	[smem:$0x3FAB] =	sst s0;
	s0 =	simm.s32 @!p2 $0x0  }
0x16: {  	s3 =	sld [smem:$0x3FDB];
	s0 =	simm.s32 @p2 $0x1  }
0x17: {  	s4 =	simm.s32 $0x1BF5;
	[smem:$0x3FAD] =	sst s0  }
0x18: {  	s0 =	sld [smem:$0x3F90];
	_ =	swait.ge [sflag:s4], $0x0  }
0x19: {  	s7 =	sld [smem:$0x3F91]  }
0x1a: {  	s8 =	sadd.s32 $0xFFFFE003, lr  }
0x1b: {  	s9 =	sadd.s32 $0xFFFFFEF7, lr;
	s5 =	simm.s32 $0xFFFFFFFF;
	p2 =	slt.u32 s8, $0xFFFFF086  }
0x1c: {  	p1 =	slt.u32 s9, $0xF7A;
	s5 =	simm.s32 @!p2 $0x0  }
0x1d: {  	s5 =	simm.s32 @p1 $0x1;
	p0 =	seq.s32 s7, s2  }
0x1e: {  	s7 =	smul.u32 @!p0 $0xF7A, s2;
	p2 =	seq.s32 @!p0 s5, $0x0  }
0x1f: {  	s9 =	smul.u32 $0xF7A, s1;
	s8 =	simm.s32 @!p0 $0x1BF5;
	p2 =	por !p2, p0  }
0x20: {  	[sflag:s8] =	ssyncset.s32 @!p0 $0xFFFFF086;
	s6 =	sadd.s32 @!p0 s3, s7;
	s7 =	simm.s32 @!p0 $0x108  }
0x21: {  	s3 =	sadd.s32 s3, s9;
	s6 =	sadd.s32 @!p0 $0x88, s6;
	s7 =	simm.s32 @p2 $0x1082  }
0x22: {  	[simem:s7], [sflag:s8] =	dma.local @!p0 [hbm:s6], $0xF7A  }
0x23: {  	s9 =	sor.u32 $0xD0000000, s2;
	s6 =	simm.s32 $0x108;
	_ =	swait.ge @!p0 [sflag:s8], $0x0  }
0x24: {  	s3 =	sadd.s32 $0x88, s3;
	s6 =	simm.s32 @!p1 $0x1082;
	[sflag:s4] =	ssyncset.s32 $0xFFFFF086  }
0x25: {  	[simem:s6], [sflag:s4] =	dma.local [hbm:s3], $0xF7A  }
0x26: {  	[smem:$0x3F91] =	sst s1;
	(tag) =	ssettag s2;
	_ =	strace s9  }
0x27: {  	s1 =	sld [smem:$0x3FA1]  }
0x28: {  	s2 =	sld [smem:$0x3FA2]  }
0x29: {  	s4 =	sld [smem:$0x3FA4]  }
0x2a: {  	p0 =	seq.s32 s5, $0x0;
	s5 =	sld [smem:$0x3FA5]  }
0x2b: {  	s6 =	sld [smem:$0x3FA6]  }
0x2c: {  	s7 =	sld [smem:$0x3FA7]  }
0x2d: {  	s3 =	simm.s32 $0x108;
	s8 =	sld [smem:$0x3FA8]  }
0x2e: {  	s3 =	simm.s32 @!p0 $0x1082;
	s9 =	sld [smem:$0x3FA9]  }
0x2f: {  	lr =	sadd.s32 s0, s3;
	s0 =	sld [smem:$0x3FA0]  }
0x30: {  	s3 =	sld [smem:$0x3FA3]  }
0x31: {  	[smem:$0x3FAC] =	sst s10  }
0x32: {  	s10 =	sld [smem:$0x3FAA];
	_ =	sdelay $0x3  }
0x33: {  	p0 =	seq.s32 s10, $0x1;
	s10 =	sld [smem:$0x3FAC];
	_ =	sdelay $0x3  }
0x34: {  	[smem:$0x3FAC] =	sst s10  }
0x35: {  	s10 =	sld [smem:$0x3FAB];
	_ =	sdelay $0x3  }
0x36: {  	p1 =	seq.s32 s10, $0x1;
	s10 =	sld [smem:$0x3FAC];
	_ =	sdelay $0x3  }
0x37: {  	[smem:$0x3FAC] =	sst s10  }
0x38: {  	s10 =	sld [smem:$0x3FAD]  }
0x39: {  	_ = 	snop;
	(pc) =	sbr.ind lr, $3  }
0x3a: {  	_ = 	snop  }
0x3b: {  	_ = 	snop  }
0x3c: {  	p2 =	seq.s32 s10, $0x1;
	s10 =	sld [smem:$0x3FAC]  }
0x3d: {  	_ =	shalt  }
0x3e: {  	_ =	shalt  }
0x3f: {  	_ =	shalt  }
0x40: {  	_ =	shalt  }
0x41: {  	_ =	shalt  }
0x42: {  	_ =	shalt  }
0x43: {  	_ =	shalt  }
0x44: {  	_ =	shalt  }
0x45: {  	_ =	shalt  }
0x46: {  	_ =	shalt  }
0x47: {  	_ =	shalt  }
0x48: {  	_ =	shalt  }
0x49: {  	_ =	shalt  }
0x4a: {  	_ =	shalt  }
0x4b: {  	_ =	shalt  }
0x4c: {  	_ =	shalt  }
0x4d: {  	_ =	shalt  }
0x4e: {  	_ =	shalt  }
0x4f: {  	_ =	shalt  }
0x50: {  	_ =	shalt  }
0x51: {  	_ =	shalt  }
0x52: {  	_ =	shalt  }
0x53: {  	_ =	shalt  }
0x54: {  	_ =	shalt  }
0x55: {  	_ =	shalt  }
0x56: {  	_ =	shalt  }
0x57: {  	_ =	shalt  }
0x58: {  	_ =	shalt  }
0x59: {  	_ =	shalt  }
0x5a: {  	_ =	shalt  }
0x5b: {  	_ =	shalt  }
0x5c: {  	_ =	shalt  }
0x5d: {  	_ =	shalt  }
0x5e: {  	_ =	shalt  }
0x5f: {  	_ =	shalt  }
0x60: {  	_ =	shalt  }
0x61: {  	_ =	shalt  }
0x62: {  	_ =	shalt  }
0x63: {  	_ =	shalt  }
0x64: {  	_ =	shalt  }
0x65: {  	_ =	shalt  }
0x66: {  	_ =	shalt  }
0x67: {  	_ =	shalt  }
0x68: {  	_ =	shalt  }
0x69: {  	_ =	shalt  }
0x6a: {  	_ =	shalt  }
0x6b: {  	_ =	shalt  }
0x6c: {  	_ =	shalt  }
0x6d: {  	_ =	shalt  }
0x6e: {  	_ =	shalt  }
0x6f: {  	_ =	shalt  }
0x70: {  	_ =	shalt  }
0x71: {  	_ =	shalt  }
0x72: {  	_ =	shalt  }
0x73: {  	_ =	shalt  }
0x74: {  	_ =	shalt  }
0x75: {  	_ =	shalt  }
0x76: {  	_ =	shalt  }
0x77: {  	_ =	shalt  }
0x78: {  	_ =	shalt  }
0x79: {  	_ =	shalt  }
0x7a: {  	_ =	shalt  }
0x7b: {  	_ =	shalt  }
0x7c: {  	_ =	shalt  }
0x7d: {  	_ =	shalt  }
0x7e: {  	_ =	shalt  }
0x7f: {  	_ =	shalt  }
0x80: {  	_ =	shalt  }
0x81: {  	_ =	shalt  }
0x82: {  	_ =	shalt  }
0x83: {  	_ =	shalt  }
0x84: {  	_ =	shalt  }
0x85: {  	_ =	shalt  }
0x86: {  	_ =	shalt  }
0x87: {  	_ =	shalt  }
.Lfunc_end0:
.L_simem_size_0:
called_computation_lowered:
.L_overlay_start_0:
0x88: {  	s2 =	sld [smem:$0x3FD9]  }
0x89: {  	s3 =	sld [smem:$0x3FFE];
	_ =	sdelay $0x1  }
0x8a: {  	s1 =	srdreg.scid  }
0x8b: {  	s0 =	sand.u32 $0x1, s1  }
0x8c: {  	s17 =	sshll.u32 s0, $0xA;
	s2 =	sadd.s32 s3, s2  }
0x8d: {  	s2 =	sadd.s32 s2, s17  }
0x8e: {  	[smem:$0x3FB8] =	sst s2  }
0x8f: {  	_ = 	snop  }
0x90: {  	s2 =	sld [smem:$0x3FC9];
	(tm) =	ssettm $0x1  }
0x91: {  	s18 =	sld [smem:$0x3FFB];
	_ =	sdelay $0x3  }
0x92: {  	_ =	strace s18  }
0x93: {  	s3 =	sld [smem:$0x3FFC];
	_ =	sdelay $0x3  }
0x94: {  	_ =	strace s3  }
0x95: {  	s3 =	sld [smem:$0x3FFD];
	_ =	sdelay $0x3  }
0x96: {  	_ =	strace s3  }
0x97: {  	_ =	strace $0x8FFFFFFF  }
0x98: {  	s19 =	sld [smem:$0x3FDB];
	_ =	sdelay $0x1  }
0x99: {  	s4 =	simm.s32 $_scs_section_size  }
0x9a: {  	s5 =	simm.s32 $_size__tile_overlayer_lowered;
	s6 =	simm.s32 $_tile_overlayer_lowered  }
0x9b: {  	s22 =	simm.s32 $0x1BFF;
	s21 =	sshll.u32 s6, $0x1;
	s3 =	sadd.s32 s4, s19  }
0x9c: {  	s7 =	simm.s32 $0x0;
	s20 =	sshll.u32 s5, $0x1;
	s5 =	sadd.s32 s21, s3  }
0x9d: {  	[timem:s7], [sflag:s22] =	dma.local [hbm:s5], s20  }
0x9e: {  	_ =	swait.ge [sflag:s22], s20  }
0x9f: {  	s4 =	ssub.s32 $0x0, s20;
	[sflag:s22] =	ssyncset.done $0x0  }
0xa0: {  	[sflag:s22] =	ssyncadd.s32 s4;
	_ =	sdelay $0x1  }
0xa1: {  	s23 =	simm.s32 $0x1B8B  }
0xa2: {  	_ =	swait.ge [sflag:s23], $0x1  }
0xa3: {  	[sflag:s23] =	ssyncset.done $0x0  }
0xa4: {  	s25 =	simm.s32 $0x1B8E;
	s24 =	sld [smem:$0x3FFE];
	[sflag:s23] =	ssyncadd.s32 $0xFFFFFFFF  }
0xa5: {  	s26 =	simm.s32 $execute0_lowered;
	[smem:$0x3FD2] =	sst s25  }
0xa6: {  	s5 =	sshll.u32 s26, $0x1;
	_ =	strace $0x80000046;
	[dreg:$0x1] =	wrdreg $0xFFFFFFFF  }
0xa7: {  	s28 =	simm.s32 $_size_execute0_lowered;
	s3 =	sadd.s32 s3, s5;
	[dreg:$0x0] =	wrdreg $0x0  }
0xa8: {  	s5 =	sshll.u32 s28, $0x1;
	[dreg:$0x2] =	wrdreg s3  }
0xa9: {  	[dreg:$0x3] =	wrdreg s5  }
0xaa: {  	[dreg:$0x4] =	wrdreg $0xC0  }
0xab: {  	_ =	task [dreg:s7], $0x5FFFF  }
0xac: {  	[dreg:$0x1] =	wrdreg $0xFFFFFFFF  }
0xad: {  	[dreg:$0x0] =	wrdreg $0x60  }
0xae: {  	[dreg:$0x2] =	wrdreg s2  }
0xaf: {  	[dreg:$0x3] =	wrdreg s24  }
0xb0: {  	[dreg:$0x4] =	wrdreg $0x59000  }
0xb1: {  	[dreg:$0x5] =	wrdreg $0x9  }
0xb2: {  	_ =	task.clear_ibuf [dreg:s7], $0x6FFFF;
	_ =	strace $0x90000046  }
0xb3: {  	s29 =	simm.s32 $0x9;
	_ =	strace $0x80000048  }
0xb4: {  	_ =	swait.ge [sflag:s29], $0x1  }
0xb5: {  	[sflag:s29] =	ssyncadd.s32 $0xFFFFFFFF  }
0xb6: {  	_ =	strace $0x90000048  }
0xb7: {  	_ =	sfence  }
0xb8: {  	s30 =	sld [smem:$0x0];
	_ =	sdelay $0x2  }
0xb9: {  	s31 =	sshll.u32 s1, $0xD;
	s1 =	sshrl.u32 s1, $0x2  }
0xba: {  	s3 =	sand.u32 $0x4000, s31;
	s1 =	sadd.s32 s1, s30  }
0xbb: {  	s0 =	sor.u32 s3, s0;
	s1 =	sshll.u32 s1, $0x11  }
0xbc: {  	s0 =	sor.u32 s1, s0  }
0xbd: {  	s0 =	sadd.s32 $0x8F2B, s0  }
0xbe: {  	[sflag:s0] =	ssyncadd.remote.s32 $0x1  }
0xbf: {  	_ =	sfence.sel $0xFFFF  }
0xc0: {  	[dreg:$0x0] =	wrdreg $0xFFFFFFFF;
	(pc) =	sbr.abs _section_cstart, $3  }
0xc1: {  	[dreg:$0x1] =	wrdreg $0xFFFFFFFF  }
0xc2: {  	_ =	task.clear_ibuf [dreg:s7], $0x2FFFF;
	_ =	strace $0x9FFFFFFF  }
0xc3: {  	(tm) =	ssettm $0x7FFFFFFF  }
tec
execute0_lowered:
.L_overlay_start_1:
0x0: {  	(tag) =	ssettag $0x1  }
0x1: {  	s1 =	rddreg [dreg:$0x0]  }
0x2: {  	s5 =	rddreg [dreg:$0x1];
	s4 =	srdreg.scid  }
0x3: {  	s2 =	rddreg [dreg:$0x2];
	s3 =	simm.s32 $0x0;
	s6 =	sand.u32 $0x1, s4  }
0x4: {  	[smem:$0x7FF] =	sst s3;
	s7 =	smul.u32 $0x4E20, s6  }
0x5: {  	s24 =	simm.s32 $0x2;
	s4 =	stileid.u32;
	s8 =	smul.u32 $0x138800, s6  }
0x6: {  	s9 =	sadd.s32 $0x16C00, s5;
	_ =	strace $0x80000047;
	s25 =	smul.u32 $0x13800, s4  }
0x7: {  	s6 =	ssub.s32 $0x2, s6;
	s10 =	smul.u32 $0x4E000, s4;
	s22 =	sshll.u32 s4, $0x4  }
0x8: {  	p0 =	sne.s32 s4, $0x0;
	s26 =	sshrl.u32 s6, $0x1;
	s21 =	sadd.s32 s7, s5  }
0x9: {  	s11 =	ssub.s32 s6, s26;
	s5 =	sadd.s32 $0x138000, s2;
	s28 =	sadd.s32 s25, s8  }
0xa: {  	s29 =	sshrl.u32 s10, $0x2;
	s8 =	sshrl.u32 s8, $0x3;
	s25 =	simm.s32 $0x0  }
0xb: {  	s6 =	sshrl.u32 s28, $0x3;
	s7 =	sadd.s32 s29, s2;
	s8 =	sadd.s32 s9, s8  }
0xc: {  	s31 =	smax.u32 s11, $0x1;
	s23 =	sadd.s32 s22, s21;
	s0 =	sadd.s32 s9, s6  }
0xd: {  	s30 =	sadd.s32 $0x27000, s8;
	[dreg:$0x6] =	wrdreg s31;
	s10 =	sadd.s32 $0x1800, s7  }
0xe: {  	s11 =	sadd.s32 $0x3000, s7;
	s12 =	sadd.s32 $0x4800, s7;
	s13 =	sadd.s32 $0x6000, s7  }
0xf: {  	s14 =	sadd.s32 $0x7800, s7;
	s15 =	sadd.s32 $0x9000, s7;
	s16 =	sadd.s32 $0xA800, s7  }
0x10: {  	s17 =	sadd.s32 $0xC000, s7;
	s18 =	sadd.s32 $0xD800, s7;
	s19 =	sadd.s32 $0xF000, s7  }
0x11: {  	s20 =	sadd.s32 $0x10800, s7;
	s21 =	sadd.s32 $0x12000, s7;
	[dreg:$0x4] =	wrdreg s0  }
0x12: {  	v0 =	vimm.f32 $0.0e+00;
	s22 =	sadd.s32 $0x3000, s23;
	s23 =	sadd.s32 $0xCE00, s23;
	[dreg:$0x5] =	wrdreg s30  }
.LBB2_1:
0x13: {  	s26 =	simm.s32 $0x0;
	s28 =	simm.s32 $0x200  }
.LBB2_2:
0x14: {  	p1 =	sne.s32 s28, $0x5E00;
	[tilespmem:s26+$0x70] =	vst v0  }
0x15: {  	[tilespmem:s26+$0x0] =	vst v0  }
0x16: {  	[tilespmem:s26+$0x10] =	vst v0  }
.Ltmp0:
0x17: {  	[tilespmem:s26+$0x20] =	vst v0;
	(pc) =	sbr.rel @p1 .LBB2_2-.Ltmp0, $4  }
0x18: {  	[tilespmem:s26+$0x30] =	vst v0  }
0x19: {  	[tilespmem:s26+$0x40] =	vst v0  }
0x1a: {  	[tilespmem:s26+$0x50] =	vst v0  }
0x1b: {  	[tilespmem:s26+$0x60] =	vst v0;
	s26 =	sshra.s32 s28, $0x2;
	s28 =	sadd.s32 $0x200, s28  }
0x1c: {  	[tilespmem:s26+$0x70] =	vst v0  }
0x1d: {  	[tilespmem:s26+$0x0] =	vst v0  }
0x1e: {  	[tilespmem:s26+$0x10] =	vst v0  }
0x1f: {  	[tilespmem:s26+$0x20] =	vst v0  }
0x20: {  	[tilespmem:s26+$0x30] =	vst v0  }
0x21: {  	[tilespmem:s26+$0x40] =	vst v0  }
0x22: {  	[tilespmem:s26+$0x50] =	vst v0  }
0x23: {  	[tilespmem:s26+$0x60] =	vst v0  }
0x24: {  	[spmem:s7] =	stream.linear.scatter [tilespmem:s3], [sflag:$0x2], $0x1800, $0x38;
	[tilespmem:$0x19180] =	vst v63  }
0x25: {  	_ =	swait.ge [sflag:s24], $0x1800  }
0x26: {  	[sflag:s24] =	ssyncset.done $0x0  }
0x27: {  	[sflag:s24] =	ssyncadd.s32 $0xFFFFE800  }
0x28: {  	[spmem:s10] =	stream.linear.scatter [tilespmem:s3], [sflag:$0x2], $0x1800, $0x38;
	[tilespmem:$0x19180] =	vst v63  }
0x29: {  	_ =	swait.ge [sflag:s24], $0x1800  }
0x2a: {  	[sflag:s24] =	ssyncset.done $0x0  }
0x2b: {  	[sflag:s24] =	ssyncadd.s32 $0xFFFFE800  }
0x2c: {  	[spmem:s11] =	stream.linear.scatter [tilespmem:s3], [sflag:$0x2], $0x1800, $0x38;
	[tilespmem:$0x19180] =	vst v63  }
0x2d: {  	_ =	swait.ge [sflag:s24], $0x1800  }
0x2e: {  	[sflag:s24] =	ssyncset.done $0x0  }
0x2f: {  	[sflag:s24] =	ssyncadd.s32 $0xFFFFE800  }
0x30: {  	[spmem:s12] =	stream.linear.scatter [tilespmem:s3], [sflag:$0x2], $0x1800, $0x38;
	[tilespmem:$0x19180] =	vst v63  }
0x31: {  	_ =	swait.ge [sflag:s24], $0x1800  }
0x32: {  	[sflag:s24] =	ssyncset.done $0x0  }
0x33: {  	[sflag:s24] =	ssyncadd.s32 $0xFFFFE800  }
0x34: {  	[spmem:s13] =	stream.linear.scatter [tilespmem:s3], [sflag:$0x2], $0x1800, $0x38;
	[tilespmem:$0x19180] =	vst v63  }
0x35: {  	_ =	swait.ge [sflag:s24], $0x1800  }
0x36: {  	[sflag:s24] =	ssyncset.done $0x0  }
0x37: {  	[sflag:s24] =	ssyncadd.s32 $0xFFFFE800  }
0x38: {  	[spmem:s14] =	stream.linear.scatter [tilespmem:s3], [sflag:$0x2], $0x1800, $0x38;
	[tilespmem:$0x19180] =	vst v63  }
0x39: {  	_ =	swait.ge [sflag:s24], $0x1800  }
0x3a: {  	[sflag:s24] =	ssyncset.done $0x0  }
0x3b: {  	[sflag:s24] =	ssyncadd.s32 $0xFFFFE800  }
0x3c: {  	[spmem:s15] =	stream.linear.scatter [tilespmem:s3], [sflag:$0x2], $0x1800, $0x38;
	[tilespmem:$0x19180] =	vst v63  }
0x3d: {  	_ =	swait.ge [sflag:s24], $0x1800  }
0x3e: {  	[sflag:s24] =	ssyncset.done $0x0  }
0x3f: {  	[sflag:s24] =	ssyncadd.s32 $0xFFFFE800  }
0x40: {  	[spmem:s16] =	stream.linear.scatter [tilespmem:s3], [sflag:$0x2], $0x1800, $0x38;
	[tilespmem:$0x19180] =	vst v63  }
0x41: {  	_ =	swait.ge [sflag:s24], $0x1800  }
0x42: {  	[sflag:s24] =	ssyncset.done $0x0  }
0x43: {  	[sflag:s24] =	ssyncadd.s32 $0xFFFFE800  }
0x44: {  	[spmem:s17] =	stream.linear.scatter [tilespmem:s3], [sflag:$0x2], $0x1800, $0x38;
	[tilespmem:$0x19180] =	vst v63  }
0x45: {  	_ =	swait.ge [sflag:s24], $0x1800  }
0x46: {  	[sflag:s24] =	ssyncset.done $0x0  }
0x47: {  	[sflag:s24] =	ssyncadd.s32 $0xFFFFE800  }
0x48: {  	[spmem:s18] =	stream.linear.scatter [tilespmem:s3], [sflag:$0x2], $0x1800, $0x38;
	[tilespmem:$0x19180] =	vst v63  }
0x49: {  	_ =	swait.ge [sflag:s24], $0x1800  }
0x4a: {  	[sflag:s24] =	ssyncset.done $0x0  }
0x4b: {  	[sflag:s24] =	ssyncadd.s32 $0xFFFFE800  }
0x4c: {  	[spmem:s19] =	stream.linear.scatter [tilespmem:s3], [sflag:$0x2], $0x1800, $0x38;
	[tilespmem:$0x19180] =	vst v63  }
0x4d: {  	_ =	swait.ge [sflag:s24], $0x1800  }
0x4e: {  	[sflag:s24] =	ssyncset.done $0x0  }
0x4f: {  	[sflag:s24] =	ssyncadd.s32 $0xFFFFE800  }
0x50: {  	[spmem:s20] =	stream.linear.scatter [tilespmem:s3], [sflag:$0x2], $0x1800, $0x38;
	[tilespmem:$0x19180] =	vst v63  }
0x51: {  	_ =	swait.ge [sflag:s24], $0x1800  }
0x52: {  	[sflag:s24] =	ssyncset.done $0x0  }
0x53: {  	[sflag:s24] =	ssyncadd.s32 $0xFFFFE800  }
0x54: {  	[spmem:s21] =	stream.linear.scatter [tilespmem:s3], [sflag:$0x2], $0x1800, $0x38;
	[tilespmem:$0x19180] =	vst v63  }
0x55: {  	_ =	swait.ge [sflag:s24], $0x1800  }
0x56: {  	[sflag:s24] =	ssyncset.done $0x0  }
0x57: {  	s26 =	simm.s32 @!p0 $0x0;
	[sflag:s24] =	ssyncadd.s32 $0xFFFFE800  }
0x58: {  	[spmem:s5] =	stream.linear.scatter @!p0 [tilespmem:s26], [sflag:$0x2], $0x800, $0x38;
	[tilespmem:$0x19180] =	vst v63  }
0x59: {  	s26 =	simm.s32 @!p0 $0x2  }
0x5a: {  	_ =	swait.ge @!p0 [sflag:s26], $0x800  }
0x5b: {  	p1 =	sgt.u32 s4, $0x4E1;
	[sflag:s26] =	ssyncset.done @!p0 $0x0  }
0x5c: {  	s28 =	simm.s32 @!p1 $0x0;
	s29 =	simm.s32 @!p1 $0x5800;
	[sflag:s26] =	ssyncadd.s32 @!p0 $0xFFFFF800  }
0x5d: {  	s30 =	simm.s32 @!p1 $0x3;
	s26 =	sadd.s32 @!p1 $0x0, s23;
	[bflag:$0x0] =	sbarrier.arrive $0xFFFF  }
0x5e: {  	[tilespmem:s29], [sflag:$0x3] =	stream.linear.gather @!p1 [hbm4b:s26+s28], $0x80, $0x38;
	[tilespmem:$0x19180] =	vst v63  }
0x5f: {  	_ =	swait.ge @!p1 [sflag:s30], $0x80  }
0x60: {  	[sflag:s30] =	ssyncset.done @!p1 $0x0  }
0x61: {  	s31 =	simm.s32 @!p1 $0x5880;
	s26 =	sadd.s32 @!p1 $0x0, s22;
	[sflag:s30] =	ssyncadd.s32 @!p1 $0xFFFFFF80  }
0x62: {  	[tilespmem:s31], [sflag:$0x3] =	stream.linear.gather @!p1 [hbm4b:s26+s28], $0x80, $0x38;
	[tilespmem:$0x19180] =	vst v63  }
0x63: {  	_ =	swait.ge @!p1 [sflag:s30], $0x80;
	p1 =	por p1, p1  }
0x64: {  	[sflag:s30] =	ssyncset.done @!p1 $0x0  }
0x65: {  	s26 =	simm.s32 @!p1 $0x80;
	s28 =	simm.s32 @!p1 $0x1800;
	[sflag:s30] =	ssyncadd.s32 @!p1 $0xFFFFFF80  }
0x66: {  	[tilespmem:s28], [sflag:$0x1] =	stream.indirect.gather @!p1 [hbm4b:s1+s26], $0x80, s29, s26, $0xb8;
	[tilespmem:$0x19180] =	vst v63  }
0x67: {  	s29 =	simm.s32 @!p1 $0x1  }
0x68: {  	_ =	swait.ge @!p1 [sflag:s29], $0x4000  }
0x69: {  	[sflag:s29] =	ssyncset.done @!p1 $0x0  }
0x6a: {  	[sflag:s29] =	ssyncadd.s32 @!p1 $0xFFFFC000  }
0x6b: {  	[spmem:s2] =	stream.indirect.scatter.add.f32 @!p1 [tilespmem:s28], [sflag:$0x2], $0x80, s31, s26, $0xb8;
	[tilespmem:$0x19180] =	vst v63  }
0x6c: {  	s30 =	simm.s32 @!p1 $0x2;
	s29 =	simm.s32 $0x200;
	s28 =	sadd.s32 $0x10, s4  }
0x6d: {  	s26 =	simm.s32 $0x100;
	p2 =	sgt.u32 s28, $0x4E1;
	_ =	swait.ge @!p1 [sflag:s30], $0x4000  }
.LBB2_4:
0x6e: {  	s31 =	sadd.s32 @!p2 s26, s23;
	s0 =	simm.s32 @!p2 $0x0;
	[sflag:s30] =	ssyncset.done @!p1 $0x0  }
0x6f: {  	s6 =	simm.s32 @!p2 $0x5800;
	s8 =	simm.s32 @!p2 $0x3;
	[sflag:s30] =	ssyncadd.s32 @!p1 $0xFFFFC000  }
0x70: {  	[tilespmem:s6], [sflag:$0x3] =	stream.linear.gather @!p2 [hbm4b:s31+s0], $0x80, $0x38;
	[tilespmem:$0x19180] =	vst v63  }
0x71: {  	s30 =	smov.u32 s29;
	s29 =	sadd.s32 $0x100, s29;
	_ =	swait.ge @!p2 [sflag:s8], $0x80  }
0x72: {  	s9 =	simm.s32 @!p2 $0x5880;
	s31 =	sadd.s32 @!p2 s26, s22;
	[sflag:s8] =	ssyncset.done @!p2 $0x0  }
0x73: {  	p3 =	sne.s32 s29, $0x4F00;
	s26 =	smov.u32 s30;
	[sflag:s8] =	ssyncadd.s32 @!p2 $0xFFFFFF80  }
0x74: {  	[tilespmem:s9], [sflag:$0x3] =	stream.linear.gather @!p2 [hbm4b:s31+s0], $0x80, $0x38;
	[tilespmem:$0x19180] =	vst v63  }
0x75: {  	p1 =	por p2, p2;
	_ =	swait.ge @!p2 [sflag:s8], $0x80  }
0x76: {  	s0 =	simm.s32 @!p1 $0x80;
	s31 =	simm.s32 @!p1 $0x1800;
	[sflag:s8] =	ssyncset.done @!p1 $0x0  }
0x77: {  	[sflag:s8] =	ssyncadd.s32 @!p1 $0xFFFFFF80;
	s8 =	simm.s32 @!p1 $0x1  }
0x78: {  	[tilespmem:s31], [sflag:$0x1] =	stream.indirect.gather @!p1 [hbm4b:s1+s0], $0x80, s6, s0, $0xb8;
	[tilespmem:$0x19180] =	vst v63  }
.Ltmp1:
0x79: {  	_ =	swait.ge @!p1 [sflag:s8], $0x4000;
	(pc) =	sbr.rel @p3 .LBB2_4-.Ltmp1, $4  }
0x7a: {  	[sflag:s8] =	ssyncset.done @!p1 $0x0  }
0x7b: {  	s28 =	sadd.s32 $0x10, s28;
	s30 =	simm.s32 @!p1 $0x2;
	[sflag:s8] =	ssyncadd.s32 @!p1 $0xFFFFC000  }
0x7c: {  	[spmem:s2] =	stream.indirect.scatter.add.f32 @!p1 [tilespmem:s31], [sflag:$0x2], $0x80, s9, s0, $0xb8;
	[tilespmem:$0x19180] =	vst v63  }
0x7d: {  	p2 =	sgt.u32 s28, $0x4E1;
	_ =	swait.ge @!p1 [sflag:s30], $0x4000  }
0x7e: {  	s0 =	sadd.s32 @!p2 s26, s23;
	s6 =	simm.s32 @!p2 $0x0;
	[sflag:s30] =	ssyncset.done @!p1 $0x0  }
0x7f: {  	s8 =	simm.s32 @!p2 $0x5800;
	s9 =	simm.s32 @!p2 $0x3;
	[sflag:s30] =	ssyncadd.s32 @!p1 $0xFFFFC000  }
0x80: {  	[tilespmem:s8], [sflag:$0x3] =	stream.linear.gather @!p2 [hbm4b:s0+s6], $0x80, $0x38;
	[tilespmem:$0x19180] =	vst v63  }
0x81: {  	_ =	swait.ge @!p2 [sflag:s9], $0x80  }
0x82: {  	[sflag:s9] =	ssyncset.done @!p2 $0x0  }
0x83: {  	s0 =	sadd.s32 @!p2 s26, s22;
	s26 =	simm.s32 @!p2 $0x5880;
	[sflag:s9] =	ssyncadd.s32 @!p2 $0xFFFFFF80  }
0x84: {  	[tilespmem:s26], [sflag:$0x3] =	stream.linear.gather @!p2 [hbm4b:s0+s6], $0x80, $0x38;
	[tilespmem:$0x19180] =	vst v63  }
0x85: {  	p1 =	por p2, p2;
	_ =	swait.ge @!p2 [sflag:s9], $0x80  }
0x86: {  	s0 =	simm.s32 @!p1 $0x80;
	[sflag:s9] =	ssyncset.done @!p1 $0x0  }
0x87: {  	s6 =	simm.s32 @!p1 $0x1800;
	[sflag:s9] =	ssyncadd.s32 @!p1 $0xFFFFFF80;
	s9 =	simm.s32 @!p1 $0x1  }
0x88: {  	[tilespmem:s6], [sflag:$0x1] =	stream.indirect.gather @!p1 [hbm4b:s1+s0], $0x80, s8, s0, $0xb8;
	[tilespmem:$0x19180] =	vst v63  }
0x89: {  	_ =	swait.ge @!p1 [sflag:s9], $0x4000  }
0x8a: {  	[sflag:s9] =	ssyncset.done @!p1 $0x0  }
0x8b: {  	s8 =	simm.s32 @!p1 $0x2;
	[sflag:s9] =	ssyncadd.s32 @!p1 $0xFFFFC000  }
0x8c: {  	[spmem:s2] =	stream.indirect.scatter.add.f32 @!p1 [tilespmem:s6], [sflag:$0x2], $0x80, s26, s0, $0xb8;
	[tilespmem:$0x19180] =	vst v63  }
0x8d: {  	_ =	swait.ge @!p1 [sflag:s8], $0x4000  }
0x8e: {  	[sflag:s8] =	ssyncset.done @!p1 $0x0  }
0x8f: {  	[sflag:s8] =	ssyncadd.s32 @!p1 $0xFFFFC000  }
0x90: {  	s28 =	sshll.u32 s4, $0x6;
	[bflag:$0x0] =	sbarrier.arrive $0xFFFF  }
0x91: {  	s29 =	sshrl.u32 s7, $0x3;
	s0 =	sor.u32 $0x1C02, s28;
	s30 =	rddreg [dreg:$0x4]  }
0x92: {  	[hbm:s30], [sflag:s0] =	dma.local [spmem:s29], $0x2700  }
0x93: {  	_ =	swait.ge [sflag:s24], $0x2700  }
0x94: {  	[sflag:s24] =	ssyncset.done $0x0  }
0x95: {  	s6 =	sshrl.u32 @!p0 s5, $0x3;
	s8 =	rddreg [dreg:$0x5];
	[sflag:s24] =	ssyncadd.s32 $0xFFFFD900  }
0x96: {  	[hbm:s8], [sflag:s0] =	dma.local @!p0 [spmem:s6], $0x100  }
0x97: {  	s0 =	simm.s32 @!p0 $0x2  }
0x98: {  	_ =	swait.ge @!p0 [sflag:s0], $0x100  }
0x99: {  	s25 =	sadd.s32 $0x1, s25;
	s31 =	rddreg [dreg:$0x6]  }
0x9a: {  	p1 =	sne.s32 s25, s31  }
.Ltmp2:
0x9b: {  	_ = 	snop;
	(pc) =	sbr.rel @p1 .LBB2_1-.Ltmp2, $3  }
0x9c: {  	_ =	sdelay $0x1  }
0x9d: {  	[sflag:s0] =	ssyncset.done @!p0 $0x0  }
0x9e: {  	[sflag:s0] =	ssyncadd.s32 @!p0 $0xFFFFFF00  }
0x9f: {  	_ =	sfence.sel $0x180000  }
0xa0: {  	[bflag:$0x0] =	sbarrier.arrive $0xFFFF  }
0xa1: {  	_ =	strace $0x90000047  }
0xa2: {  	[bflag:$0x2] =	sbarrier.arrive $0xFFFF  }
0xa3: {  	s0 =	rddreg [dreg:$0x3]  }
0xa4: {  	s0 =	sadd.s32 @!p0 $0x100000, s0  }
0xa5: {  	[sflag:s0] =	ssyncadd.tile.s32 @!p0 $0x1;
	_ =	shalt  }
.Lfunc_end2:
_tile_overlayer_lowered:
.L_overlay_start_2:
0xa6: {  	(tag) =	ssettag $0x2  }
0xa7: {  	s0 =	rddreg [dreg:$0x0];
	s2 =	stileid.u32  }
0xa8: {  	s1 =	rddreg [dreg:$0x1];
	p0 =	sne.s32 s2, $0x0  }
0xa9: {  	s3 =	rddreg [dreg:$0x2];
	[bflag:$0x3] =	sbarrier.arrive $0xFFFF;
	s2 =	simm.s32 @!p0 $0x1C02  }
0xaa: {  	[timem:s3], [sflag:s2] =	dma.local @!p0 [hbm:s0], s1  }
0xab: {  	s0 =	simm.s32 @!p0 $0x2  }
0xac: {  	_ =	swait.ge @!p0 [sflag:s0], s1  }
0xad: {  	s1 =	ssub.s32 @!p0 $0x0, s1;
	[sflag:s0] =	ssyncset.done @!p0 $0x0  }
0xae: {  	[sflag:s0] =	ssyncadd.s32 @!p0 s1  }
0xaf: {  	[bflag:$0x3] =	sbarrier.arrive $0xFFFF  }
0xb0: {  	_ =	shalt  }

// kernel: kernel.9.cloned.1.call-start
scs
__scs_entry_jumppad:
0x0: {  	(pc) =	sbr.rel $0x88, $3  }
0x1: {  	(tag) =	ssettag $0x0;
	lr =	simm.s32 $0x1  }
0x2: {  	[smem:$0x3F91] =	sst lr;
	_ =	strace $0xD0000000  }
0x3: {  	_ = 	snop  }
0x4: {  	_ = 	snop  }
0x5: {  	_ = 	snop  }
0x6: {  	_ = 	snop  }
0x7: {  	_ = 	snop  }
__scs_overlays_trampoline_lowered:
0x8: {  	[smem:$0x3FA0] =	sst s0  }
0x9: {  	[smem:$0x3FA1] =	sst s1  }
0xa: {  	[smem:$0x3FA2] =	sst s2  }
0xb: {  	[smem:$0x3FA3] =	sst s3  }
0xc: {  	[smem:$0x3FA4] =	sst s4  }
0xd: {  	[smem:$0x3FA5] =	sst s5  }
0xe: {  	[smem:$0x3FA6] =	sst s6  }
0xf: {  	[smem:$0x3FA7] =	sst s7  }
0x10: {  	[smem:$0x3FA8] =	sst s8  }
0x11: {  	[smem:$0x3FA9] =	sst s9;
	s0 =	simm.s32 @!p0 $0x0  }
0x12: {  	s1 =	sld [smem:$0x3F8F];
	s0 =	simm.s32 @p0 $0x1  }
0x13: {  	[smem:$0x3FAA] =	sst s0;
	s0 =	simm.s32 @!p1 $0x0  }
0x14: {  	s2 =	sld [smem:$0x3F8E];
	s0 =	simm.s32 @p1 $0x1  }
0x15: {  	[smem:$0x3FAB] =	sst s0;
	s0 =	simm.s32 @!p2 $0x0  }
0x16: {  	s3 =	sld [smem:$0x3FDB];
	s0 =	simm.s32 @p2 $0x1  }
0x17: {  	s4 =	simm.s32 $0x1BF5;
	[smem:$0x3FAD] =	sst s0  }
0x18: {  	s0 =	sld [smem:$0x3F90];
	_ =	swait.ge [sflag:s4], $0x0  }
0x19: {  	s7 =	sld [smem:$0x3F91]  }
0x1a: {  	s8 =	sadd.s32 $0xFFFFE003, lr  }
0x1b: {  	s9 =	sadd.s32 $0xFFFFFEF7, lr;
	s5 =	simm.s32 $0xFFFFFFFF;
	p2 =	slt.u32 s8, $0xFFFFF086  }
0x1c: {  	p1 =	slt.u32 s9, $0xF7A;
	s5 =	simm.s32 @!p2 $0x0  }
0x1d: {  	s5 =	simm.s32 @p1 $0x1;
	p0 =	seq.s32 s7, s2  }
0x1e: {  	s7 =	smul.u32 @!p0 $0xF7A, s2;
	p2 =	seq.s32 @!p0 s5, $0x0  }
0x1f: {  	s9 =	smul.u32 $0xF7A, s1;
	s8 =	simm.s32 @!p0 $0x1BF5;
	p2 =	por !p2, p0  }
0x20: {  	[sflag:s8] =	ssyncset.s32 @!p0 $0xFFFFF086;
	s6 =	sadd.s32 @!p0 s3, s7;
	s7 =	simm.s32 @!p0 $0x108  }
0x21: {  	s3 =	sadd.s32 s3, s9;
	s6 =	sadd.s32 @!p0 $0x88, s6;
	s7 =	simm.s32 @p2 $0x1082  }
0x22: {  	[simem:s7], [sflag:s8] =	dma.local @!p0 [hbm:s6], $0xF7A  }
0x23: {  	s9 =	sor.u32 $0xD0000000, s2;
	s6 =	simm.s32 $0x108;
	_ =	swait.ge @!p0 [sflag:s8], $0x0  }
0x24: {  	s3 =	sadd.s32 $0x88, s3;
	s6 =	simm.s32 @!p1 $0x1082;
	[sflag:s4] =	ssyncset.s32 $0xFFFFF086  }
0x25: {  	[simem:s6], [sflag:s4] =	dma.local [hbm:s3], $0xF7A  }
0x26: {  	[smem:$0x3F91] =	sst s1;
	(tag) =	ssettag s2;
	_ =	strace s9  }
0x27: {  	s1 =	sld [smem:$0x3FA1]  }
0x28: {  	s2 =	sld [smem:$0x3FA2]  }
0x29: {  	s4 =	sld [smem:$0x3FA4]  }
0x2a: {  	p0 =	seq.s32 s5, $0x0;
	s5 =	sld [smem:$0x3FA5]  }
0x2b: {  	s6 =	sld [smem:$0x3FA6]  }
0x2c: {  	s7 =	sld [smem:$0x3FA7]  }
0x2d: {  	s3 =	simm.s32 $0x108;
	s8 =	sld [smem:$0x3FA8]  }
0x2e: {  	s3 =	simm.s32 @!p0 $0x1082;
	s9 =	sld [smem:$0x3FA9]  }
0x2f: {  	lr =	sadd.s32 s0, s3;
	s0 =	sld [smem:$0x3FA0]  }
0x30: {  	s3 =	sld [smem:$0x3FA3]  }
0x31: {  	[smem:$0x3FAC] =	sst s10  }
0x32: {  	s10 =	sld [smem:$0x3FAA];
	_ =	sdelay $0x3  }
0x33: {  	p0 =	seq.s32 s10, $0x1;
	s10 =	sld [smem:$0x3FAC];
	_ =	sdelay $0x3  }
0x34: {  	[smem:$0x3FAC] =	sst s10  }
0x35: {  	s10 =	sld [smem:$0x3FAB];
	_ =	sdelay $0x3  }
0x36: {  	p1 =	seq.s32 s10, $0x1;
	s10 =	sld [smem:$0x3FAC];
	_ =	sdelay $0x3  }
0x37: {  	[smem:$0x3FAC] =	sst s10  }
0x38: {  	s10 =	sld [smem:$0x3FAD]  }
0x39: {  	_ = 	snop;
	(pc) =	sbr.ind lr, $3  }
0x3a: {  	_ = 	snop  }
0x3b: {  	_ = 	snop  }
0x3c: {  	p2 =	seq.s32 s10, $0x1;
	s10 =	sld [smem:$0x3FAC]  }
0x3d: {  	_ =	shalt  }
0x3e: {  	_ =	shalt  }
0x3f: {  	_ =	shalt  }
0x40: {  	_ =	shalt  }
0x41: {  	_ =	shalt  }
0x42: {  	_ =	shalt  }
0x43: {  	_ =	shalt  }
0x44: {  	_ =	shalt  }
0x45: {  	_ =	shalt  }
0x46: {  	_ =	shalt  }
0x47: {  	_ =	shalt  }
0x48: {  	_ =	shalt  }
0x49: {  	_ =	shalt  }
0x4a: {  	_ =	shalt  }
0x4b: {  	_ =	shalt  }
0x4c: {  	_ =	shalt  }
0x4d: {  	_ =	shalt  }
0x4e: {  	_ =	shalt  }
0x4f: {  	_ =	shalt  }
0x50: {  	_ =	shalt  }
0x51: {  	_ =	shalt  }
0x52: {  	_ =	shalt  }
0x53: {  	_ =	shalt  }
0x54: {  	_ =	shalt  }
0x55: {  	_ =	shalt  }
0x56: {  	_ =	shalt  }
0x57: {  	_ =	shalt  }
0x58: {  	_ =	shalt  }
0x59: {  	_ =	shalt  }
0x5a: {  	_ =	shalt  }
0x5b: {  	_ =	shalt  }
0x5c: {  	_ =	shalt  }
0x5d: {  	_ =	shalt  }
0x5e: {  	_ =	shalt  }
0x5f: {  	_ =	shalt  }
0x60: {  	_ =	shalt  }
0x61: {  	_ =	shalt  }
0x62: {  	_ =	shalt  }
0x63: {  	_ =	shalt  }
0x64: {  	_ =	shalt  }
0x65: {  	_ =	shalt  }
0x66: {  	_ =	shalt  }
0x67: {  	_ =	shalt  }
0x68: {  	_ =	shalt  }
0x69: {  	_ =	shalt  }
0x6a: {  	_ =	shalt  }
0x6b: {  	_ =	shalt  }
0x6c: {  	_ =	shalt  }
0x6d: {  	_ =	shalt  }
0x6e: {  	_ =	shalt  }
0x6f: {  	_ =	shalt  }
0x70: {  	_ =	shalt  }
0x71: {  	_ =	shalt  }
0x72: {  	_ =	shalt  }
0x73: {  	_ =	shalt  }
0x74: {  	_ =	shalt  }
0x75: {  	_ =	shalt  }
0x76: {  	_ =	shalt  }
0x77: {  	_ =	shalt  }
0x78: {  	_ =	shalt  }
0x79: {  	_ =	shalt  }
0x7a: {  	_ =	shalt  }
0x7b: {  	_ =	shalt  }
0x7c: {  	_ =	shalt  }
0x7d: {  	_ =	shalt  }
0x7e: {  	_ =	shalt  }
0x7f: {  	_ =	shalt  }
0x80: {  	_ =	shalt  }
0x81: {  	_ =	shalt  }
0x82: {  	_ =	shalt  }
0x83: {  	_ =	shalt  }
0x84: {  	_ =	shalt  }
0x85: {  	_ =	shalt  }
0x86: {  	_ =	shalt  }
0x87: {  	_ =	shalt  }
.Lfunc_end0:
.L_simem_size_0:
called_computation.1_lowered:
.L_overlay_start_0:
0x88: {  	s2 =	sld [smem:$0x3FD9]  }
0x89: {  	s3 =	sld [smem:$0x3FFE];
	_ =	sdelay $0x1  }
0x8a: {  	s1 =	srdreg.scid  }
0x8b: {  	s0 =	sand.u32 $0x1, s1  }
0x8c: {  	s17 =	sshll.u32 s0, $0xA;
	s2 =	sadd.s32 s3, s2  }
0x8d: {  	s2 =	sadd.s32 s2, s17  }
0x8e: {  	[smem:$0x3FB8] =	sst s2  }
0x8f: {  	_ = 	snop  }
0x90: {  	s2 =	sld [smem:$0x3FD0];
	(tm) =	ssettm $0x1  }
0x91: {  	s18 =	sld [smem:$0x3FFB];
	_ =	sdelay $0x3  }
0x92: {  	_ =	strace s18  }
0x93: {  	s3 =	sld [smem:$0x3FFC];
	_ =	sdelay $0x3  }
0x94: {  	_ =	strace s3  }
0x95: {  	s3 =	sld [smem:$0x3FFD];
	_ =	sdelay $0x3  }
0x96: {  	_ =	strace s3  }
0x97: {  	_ =	strace $0x8FFFFFFF  }
0x98: {  	s19 =	sld [smem:$0x3FDB];
	_ =	sdelay $0x1  }
0x99: {  	s4 =	simm.s32 $_scs_section_size  }
0x9a: {  	s5 =	simm.s32 $_size__tile_overlayer_lowered;
	s6 =	simm.s32 $_tile_overlayer_lowered  }
0x9b: {  	s22 =	simm.s32 $0x1BFF;
	s21 =	sshll.u32 s6, $0x1;
	s3 =	sadd.s32 s4, s19  }
0x9c: {  	s7 =	simm.s32 $0x0;
	s20 =	sshll.u32 s5, $0x1;
	s5 =	sadd.s32 s21, s3  }
0x9d: {  	[timem:s7], [sflag:s22] =	dma.local [hbm:s5], s20  }
0x9e: {  	_ =	swait.ge [sflag:s22], s20  }
0x9f: {  	s4 =	ssub.s32 $0x0, s20;
	[sflag:s22] =	ssyncset.done $0x0  }
0xa0: {  	[sflag:s22] =	ssyncadd.s32 s4;
	_ =	sdelay $0x1  }
0xa1: {  	s23 =	simm.s32 $0x1B8B  }
0xa2: {  	_ =	swait.ge [sflag:s23], $0x1  }
0xa3: {  	[sflag:s23] =	ssyncset.done $0x0  }
0xa4: {  	s25 =	simm.s32 $0x1B8E;
	s24 =	sld [smem:$0x3FFE];
	[sflag:s23] =	ssyncadd.s32 $0xFFFFFFFF  }
0xa5: {  	s26 =	simm.s32 $execute0_lowered;
	[smem:$0x3FD2] =	sst s25  }
0xa6: {  	s5 =	sshll.u32 s26, $0x1;
	_ =	strace $0x80000049;
	[dreg:$0x1] =	wrdreg $0xFFFFFFFF  }
0xa7: {  	s28 =	simm.s32 $_size_execute0_lowered;
	s3 =	sadd.s32 s3, s5;
	[dreg:$0x0] =	wrdreg $0x0  }
0xa8: {  	s5 =	sshll.u32 s28, $0x1;
	[dreg:$0x2] =	wrdreg s3  }
0xa9: {  	[dreg:$0x3] =	wrdreg s5  }
0xaa: {  	[dreg:$0x4] =	wrdreg $0xC0  }
0xab: {  	_ =	task [dreg:s7], $0x5FFFF  }
0xac: {  	[dreg:$0x1] =	wrdreg $0xFFFFFFFF  }
0xad: {  	[dreg:$0x0] =	wrdreg $0x60  }
0xae: {  	[dreg:$0x2] =	wrdreg s2  }
0xaf: {  	[dreg:$0x3] =	wrdreg s24  }
0xb0: {  	[dreg:$0x4] =	wrdreg $0x59000  }
0xb1: {  	[dreg:$0x5] =	wrdreg $0x9  }
0xb2: {  	_ =	task.clear_ibuf [dreg:s7], $0x6FFFF;
	_ =	strace $0x90000049  }
0xb3: {  	s29 =	simm.s32 $0x9;
	_ =	strace $0x8000004B  }
0xb4: {  	_ =	swait.ge [sflag:s29], $0x1  }
0xb5: {  	[sflag:s29] =	ssyncadd.s32 $0xFFFFFFFF  }
0xb6: {  	_ =	strace $0x9000004B  }
0xb7: {  	_ =	sfence  }
0xb8: {  	s30 =	sld [smem:$0x0];
	_ =	sdelay $0x2  }
0xb9: {  	s31 =	sshll.u32 s1, $0xD;
	s1 =	sshrl.u32 s1, $0x2  }
0xba: {  	s3 =	sand.u32 $0x4000, s31;
	s1 =	sadd.s32 s1, s30  }
0xbb: {  	s0 =	sor.u32 s3, s0;
	s1 =	sshll.u32 s1, $0x11  }
0xbc: {  	s0 =	sor.u32 s1, s0  }
0xbd: {  	s0 =	sadd.s32 $0x8F2B, s0  }
0xbe: {  	[sflag:s0] =	ssyncadd.remote.s32 $0x1  }
0xbf: {  	_ =	sfence.sel $0xFFFF  }
0xc0: {  	[dreg:$0x0] =	wrdreg $0xFFFFFFFF;
	(pc) =	sbr.abs _section_cstart, $3  }
0xc1: {  	[dreg:$0x1] =	wrdreg $0xFFFFFFFF  }
0xc2: {  	_ =	task.clear_ibuf [dreg:s7], $0x2FFFF;
	_ =	strace $0x9FFFFFFF  }
0xc3: {  	(tm) =	ssettm $0x7FFFFFFF  }
tec
execute0_lowered:
.L_overlay_start_1:
0x0: {  	(tag) =	ssettag $0x1  }
0x1: {  	s1 =	rddreg [dreg:$0x0]  }
0x2: {  	s5 =	rddreg [dreg:$0x1];
	s4 =	srdreg.scid  }
0x3: {  	s2 =	rddreg [dreg:$0x2];
	s3 =	simm.s32 $0x0;
	s6 =	sand.u32 $0x1, s4  }
0x4: {  	[smem:$0x7FF] =	sst s3;
	s7 =	smul.u32 $0x4E20, s6  }
0x5: {  	s24 =	simm.s32 $0x2;
	s4 =	stileid.u32;
	s8 =	smul.u32 $0x138800, s6  }
0x6: {  	s9 =	sadd.s32 $0x16C00, s5;
	_ =	strace $0x8000004A;
	s25 =	smul.u32 $0x13800, s4  }
0x7: {  	s6 =	ssub.s32 $0x2, s6;
	s10 =	smul.u32 $0x4E000, s4;
	s22 =	sshll.u32 s4, $0x4  }
0x8: {  	p0 =	sne.s32 s4, $0x0;
	s26 =	sshrl.u32 s6, $0x1;
	s21 =	sadd.s32 s7, s5  }
0x9: {  	s11 =	ssub.s32 s6, s26;
	s5 =	sadd.s32 $0x138000, s2;
	s28 =	sadd.s32 s25, s8  }
0xa: {  	s29 =	sshrl.u32 s10, $0x2;
	s8 =	sshrl.u32 s8, $0x3;
	s25 =	simm.s32 $0x0  }
0xb: {  	s6 =	sshrl.u32 s28, $0x3;
	s7 =	sadd.s32 s29, s2;
	s8 =	sadd.s32 s9, s8  }
0xc: {  	s31 =	smax.u32 s11, $0x1;
	s23 =	sadd.s32 s22, s21;
	s0 =	sadd.s32 s9, s6  }
0xd: {  	s30 =	sadd.s32 $0x27000, s8;
	[dreg:$0x6] =	wrdreg s31;
	s10 =	sadd.s32 $0x1800, s7  }
0xe: {  	s11 =	sadd.s32 $0x3000, s7;
	s12 =	sadd.s32 $0x4800, s7;
	s13 =	sadd.s32 $0x6000, s7  }
0xf: {  	s14 =	sadd.s32 $0x7800, s7;
	s15 =	sadd.s32 $0x9000, s7;
	s16 =	sadd.s32 $0xA800, s7  }
0x10: {  	s17 =	sadd.s32 $0xC000, s7;
	s18 =	sadd.s32 $0xD800, s7;
	s19 =	sadd.s32 $0xF000, s7  }
0x11: {  	s20 =	sadd.s32 $0x10800, s7;
	s21 =	sadd.s32 $0x12000, s7;
	[dreg:$0x4] =	wrdreg s0  }
0x12: {  	v0 =	vimm.f32 $0.0e+00;
	s22 =	sadd.s32 $0x3000, s23;
	s23 =	sadd.s32 $0xCE00, s23;
	[dreg:$0x5] =	wrdreg s30  }
.LBB2_1:
0x13: {  	s26 =	simm.s32 $0x0;
	s28 =	simm.s32 $0x200  }
.LBB2_2:
0x14: {  	p1 =	sne.s32 s28, $0x5E00;
	[tilespmem:s26+$0x70] =	vst v0  }
0x15: {  	[tilespmem:s26+$0x0] =	vst v0  }
0x16: {  	[tilespmem:s26+$0x10] =	vst v0  }
.Ltmp0:
0x17: {  	[tilespmem:s26+$0x20] =	vst v0;
	(pc) =	sbr.rel @p1 .LBB2_2-.Ltmp0, $4  }
0x18: {  	[tilespmem:s26+$0x30] =	vst v0  }
0x19: {  	[tilespmem:s26+$0x40] =	vst v0  }
0x1a: {  	[tilespmem:s26+$0x50] =	vst v0  }
0x1b: {  	[tilespmem:s26+$0x60] =	vst v0;
	s26 =	sshra.s32 s28, $0x2;
	s28 =	sadd.s32 $0x200, s28  }
0x1c: {  	[tilespmem:s26+$0x70] =	vst v0  }
0x1d: {  	[tilespmem:s26+$0x0] =	vst v0  }
0x1e: {  	[tilespmem:s26+$0x10] =	vst v0  }
0x1f: {  	[tilespmem:s26+$0x20] =	vst v0  }
0x20: {  	[tilespmem:s26+$0x30] =	vst v0  }
0x21: {  	[tilespmem:s26+$0x40] =	vst v0  }
0x22: {  	[tilespmem:s26+$0x50] =	vst v0  }
0x23: {  	[tilespmem:s26+$0x60] =	vst v0  }
0x24: {  	[spmem:s7] =	stream.linear.scatter [tilespmem:s3], [sflag:$0x2], $0x1800, $0x38;
	[tilespmem:$0x19180] =	vst v63  }
0x25: {  	_ =	swait.ge [sflag:s24], $0x1800  }
0x26: {  	[sflag:s24] =	ssyncset.done $0x0  }
0x27: {  	[sflag:s24] =	ssyncadd.s32 $0xFFFFE800  }
0x28: {  	[spmem:s10] =	stream.linear.scatter [tilespmem:s3], [sflag:$0x2], $0x1800, $0x38;
	[tilespmem:$0x19180] =	vst v63  }
0x29: {  	_ =	swait.ge [sflag:s24], $0x1800  }
0x2a: {  	[sflag:s24] =	ssyncset.done $0x0  }
0x2b: {  	[sflag:s24] =	ssyncadd.s32 $0xFFFFE800  }
0x2c: {  	[spmem:s11] =	stream.linear.scatter [tilespmem:s3], [sflag:$0x2], $0x1800, $0x38;
	[tilespmem:$0x19180] =	vst v63  }
0x2d: {  	_ =	swait.ge [sflag:s24], $0x1800  }
0x2e: {  	[sflag:s24] =	ssyncset.done $0x0  }
0x2f: {  	[sflag:s24] =	ssyncadd.s32 $0xFFFFE800  }
0x30: {  	[spmem:s12] =	stream.linear.scatter [tilespmem:s3], [sflag:$0x2], $0x1800, $0x38;
	[tilespmem:$0x19180] =	vst v63  }
0x31: {  	_ =	swait.ge [sflag:s24], $0x1800  }
0x32: {  	[sflag:s24] =	ssyncset.done $0x0  }
0x33: {  	[sflag:s24] =	ssyncadd.s32 $0xFFFFE800  }
0x34: {  	[spmem:s13] =	stream.linear.scatter [tilespmem:s3], [sflag:$0x2], $0x1800, $0x38;
	[tilespmem:$0x19180] =	vst v63  }
0x35: {  	_ =	swait.ge [sflag:s24], $0x1800  }
0x36: {  	[sflag:s24] =	ssyncset.done $0x0  }
0x37: {  	[sflag:s24] =	ssyncadd.s32 $0xFFFFE800  }
0x38: {  	[spmem:s14] =	stream.linear.scatter [tilespmem:s3], [sflag:$0x2], $0x1800, $0x38;
	[tilespmem:$0x19180] =	vst v63  }
0x39: {  	_ =	swait.ge [sflag:s24], $0x1800  }
0x3a: {  	[sflag:s24] =	ssyncset.done $0x0  }
0x3b: {  	[sflag:s24] =	ssyncadd.s32 $0xFFFFE800  }
0x3c: {  	[spmem:s15] =	stream.linear.scatter [tilespmem:s3], [sflag:$0x2], $0x1800, $0x38;
	[tilespmem:$0x19180] =	vst v63  }
0x3d: {  	_ =	swait.ge [sflag:s24], $0x1800  }
0x3e: {  	[sflag:s24] =	ssyncset.done $0x0  }
0x3f: {  	[sflag:s24] =	ssyncadd.s32 $0xFFFFE800  }
0x40: {  	[spmem:s16] =	stream.linear.scatter [tilespmem:s3], [sflag:$0x2], $0x1800, $0x38;
	[tilespmem:$0x19180] =	vst v63  }
0x41: {  	_ =	swait.ge [sflag:s24], $0x1800  }
0x42: {  	[sflag:s24] =	ssyncset.done $0x0  }
0x43: {  	[sflag:s24] =	ssyncadd.s32 $0xFFFFE800  }
0x44: {  	[spmem:s17] =	stream.linear.scatter [tilespmem:s3], [sflag:$0x2], $0x1800, $0x38;
	[tilespmem:$0x19180] =	vst v63  }
0x45: {  	_ =	swait.ge [sflag:s24], $0x1800  }
0x46: {  	[sflag:s24] =	ssyncset.done $0x0  }
0x47: {  	[sflag:s24] =	ssyncadd.s32 $0xFFFFE800  }
0x48: {  	[spmem:s18] =	stream.linear.scatter [tilespmem:s3], [sflag:$0x2], $0x1800, $0x38;
	[tilespmem:$0x19180] =	vst v63  }
0x49: {  	_ =	swait.ge [sflag:s24], $0x1800  }
0x4a: {  	[sflag:s24] =	ssyncset.done $0x0  }
0x4b: {  	[sflag:s24] =	ssyncadd.s32 $0xFFFFE800  }
0x4c: {  	[spmem:s19] =	stream.linear.scatter [tilespmem:s3], [sflag:$0x2], $0x1800, $0x38;
	[tilespmem:$0x19180] =	vst v63  }
0x4d: {  	_ =	swait.ge [sflag:s24], $0x1800  }
0x4e: {  	[sflag:s24] =	ssyncset.done $0x0  }
0x4f: {  	[sflag:s24] =	ssyncadd.s32 $0xFFFFE800  }
0x50: {  	[spmem:s20] =	stream.linear.scatter [tilespmem:s3], [sflag:$0x2], $0x1800, $0x38;
	[tilespmem:$0x19180] =	vst v63  }
0x51: {  	_ =	swait.ge [sflag:s24], $0x1800  }
0x52: {  	[sflag:s24] =	ssyncset.done $0x0  }
0x53: {  	[sflag:s24] =	ssyncadd.s32 $0xFFFFE800  }
0x54: {  	[spmem:s21] =	stream.linear.scatter [tilespmem:s3], [sflag:$0x2], $0x1800, $0x38;
	[tilespmem:$0x19180] =	vst v63  }
0x55: {  	_ =	swait.ge [sflag:s24], $0x1800  }
0x56: {  	[sflag:s24] =	ssyncset.done $0x0  }
0x57: {  	s26 =	simm.s32 @!p0 $0x0;
	[sflag:s24] =	ssyncadd.s32 $0xFFFFE800  }
0x58: {  	[spmem:s5] =	stream.linear.scatter @!p0 [tilespmem:s26], [sflag:$0x2], $0x800, $0x38;
	[tilespmem:$0x19180] =	vst v63  }
0x59: {  	s26 =	simm.s32 @!p0 $0x2  }
0x5a: {  	_ =	swait.ge @!p0 [sflag:s26], $0x800  }
0x5b: {  	p1 =	sgt.u32 s4, $0x4E1;
	[sflag:s26] =	ssyncset.done @!p0 $0x0  }
0x5c: {  	s28 =	simm.s32 @!p1 $0x0;
	s29 =	simm.s32 @!p1 $0x5800;
	[sflag:s26] =	ssyncadd.s32 @!p0 $0xFFFFF800  }
0x5d: {  	s30 =	simm.s32 @!p1 $0x3;
	s26 =	sadd.s32 @!p1 $0x0, s23;
	[bflag:$0x0] =	sbarrier.arrive $0xFFFF  }
0x5e: {  	[tilespmem:s29], [sflag:$0x3] =	stream.linear.gather @!p1 [hbm4b:s26+s28], $0x80, $0x38;
	[tilespmem:$0x19180] =	vst v63  }
0x5f: {  	_ =	swait.ge @!p1 [sflag:s30], $0x80  }
0x60: {  	[sflag:s30] =	ssyncset.done @!p1 $0x0  }
0x61: {  	s31 =	simm.s32 @!p1 $0x5880;
	s26 =	sadd.s32 @!p1 $0x0, s22;
	[sflag:s30] =	ssyncadd.s32 @!p1 $0xFFFFFF80  }
0x62: {  	[tilespmem:s31], [sflag:$0x3] =	stream.linear.gather @!p1 [hbm4b:s26+s28], $0x80, $0x38;
	[tilespmem:$0x19180] =	vst v63  }
0x63: {  	_ =	swait.ge @!p1 [sflag:s30], $0x80;
	p1 =	por p1, p1  }
0x64: {  	[sflag:s30] =	ssyncset.done @!p1 $0x0  }
0x65: {  	s26 =	simm.s32 @!p1 $0x80;
	s28 =	simm.s32 @!p1 $0x1800;
	[sflag:s30] =	ssyncadd.s32 @!p1 $0xFFFFFF80  }
0x66: {  	[tilespmem:s28], [sflag:$0x1] =	stream.indirect.gather @!p1 [hbm4b:s1+s26], $0x80, s29, s26, $0xb8;
	[tilespmem:$0x19180] =	vst v63  }
0x67: {  	s29 =	simm.s32 @!p1 $0x1  }
0x68: {  	_ =	swait.ge @!p1 [sflag:s29], $0x4000  }
0x69: {  	[sflag:s29] =	ssyncset.done @!p1 $0x0  }
0x6a: {  	[sflag:s29] =	ssyncadd.s32 @!p1 $0xFFFFC000  }
0x6b: {  	[spmem:s2] =	stream.indirect.scatter.add.f32 @!p1 [tilespmem:s28], [sflag:$0x2], $0x80, s31, s26, $0xb8;
	[tilespmem:$0x19180] =	vst v63  }
0x6c: {  	s30 =	simm.s32 @!p1 $0x2;
	s29 =	simm.s32 $0x200;
	s28 =	sadd.s32 $0x10, s4  }
0x6d: {  	s26 =	simm.s32 $0x100;
	p2 =	sgt.u32 s28, $0x4E1;
	_ =	swait.ge @!p1 [sflag:s30], $0x4000  }
.LBB2_4:
0x6e: {  	s31 =	sadd.s32 @!p2 s26, s23;
	s0 =	simm.s32 @!p2 $0x0;
	[sflag:s30] =	ssyncset.done @!p1 $0x0  }
0x6f: {  	s6 =	simm.s32 @!p2 $0x5800;
	s8 =	simm.s32 @!p2 $0x3;
	[sflag:s30] =	ssyncadd.s32 @!p1 $0xFFFFC000  }
0x70: {  	[tilespmem:s6], [sflag:$0x3] =	stream.linear.gather @!p2 [hbm4b:s31+s0], $0x80, $0x38;
	[tilespmem:$0x19180] =	vst v63  }
0x71: {  	s30 =	smov.u32 s29;
	s29 =	sadd.s32 $0x100, s29;
	_ =	swait.ge @!p2 [sflag:s8], $0x80  }
0x72: {  	s9 =	simm.s32 @!p2 $0x5880;
	s31 =	sadd.s32 @!p2 s26, s22;
	[sflag:s8] =	ssyncset.done @!p2 $0x0  }
0x73: {  	p3 =	sne.s32 s29, $0x4F00;
	s26 =	smov.u32 s30;
	[sflag:s8] =	ssyncadd.s32 @!p2 $0xFFFFFF80  }
0x74: {  	[tilespmem:s9], [sflag:$0x3] =	stream.linear.gather @!p2 [hbm4b:s31+s0], $0x80, $0x38;
	[tilespmem:$0x19180] =	vst v63  }
0x75: {  	p1 =	por p2, p2;
	_ =	swait.ge @!p2 [sflag:s8], $0x80  }
0x76: {  	s0 =	simm.s32 @!p1 $0x80;
	s31 =	simm.s32 @!p1 $0x1800;
	[sflag:s8] =	ssyncset.done @!p1 $0x0  }
0x77: {  	[sflag:s8] =	ssyncadd.s32 @!p1 $0xFFFFFF80;
	s8 =	simm.s32 @!p1 $0x1  }
0x78: {  	[tilespmem:s31], [sflag:$0x1] =	stream.indirect.gather @!p1 [hbm4b:s1+s0], $0x80, s6, s0, $0xb8;
	[tilespmem:$0x19180] =	vst v63  }
.Ltmp1:
0x79: {  	_ =	swait.ge @!p1 [sflag:s8], $0x4000;
	(pc) =	sbr.rel @p3 .LBB2_4-.Ltmp1, $4  }
0x7a: {  	[sflag:s8] =	ssyncset.done @!p1 $0x0  }
0x7b: {  	s28 =	sadd.s32 $0x10, s28;
	s30 =	simm.s32 @!p1 $0x2;
	[sflag:s8] =	ssyncadd.s32 @!p1 $0xFFFFC000  }
0x7c: {  	[spmem:s2] =	stream.indirect.scatter.add.f32 @!p1 [tilespmem:s31], [sflag:$0x2], $0x80, s9, s0, $0xb8;
	[tilespmem:$0x19180] =	vst v63  }
0x7d: {  	p2 =	sgt.u32 s28, $0x4E1;
	_ =	swait.ge @!p1 [sflag:s30], $0x4000  }
0x7e: {  	s0 =	sadd.s32 @!p2 s26, s23;
	s6 =	simm.s32 @!p2 $0x0;
	[sflag:s30] =	ssyncset.done @!p1 $0x0  }
0x7f: {  	s8 =	simm.s32 @!p2 $0x5800;
	s9 =	simm.s32 @!p2 $0x3;
	[sflag:s30] =	ssyncadd.s32 @!p1 $0xFFFFC000  }
0x80: {  	[tilespmem:s8], [sflag:$0x3] =	stream.linear.gather @!p2 [hbm4b:s0+s6], $0x80, $0x38;
	[tilespmem:$0x19180] =	vst v63  }
0x81: {  	_ =	swait.ge @!p2 [sflag:s9], $0x80  }
0x82: {  	[sflag:s9] =	ssyncset.done @!p2 $0x0  }
0x83: {  	s0 =	sadd.s32 @!p2 s26, s22;
	s26 =	simm.s32 @!p2 $0x5880;
	[sflag:s9] =	ssyncadd.s32 @!p2 $0xFFFFFF80  }
0x84: {  	[tilespmem:s26], [sflag:$0x3] =	stream.linear.gather @!p2 [hbm4b:s0+s6], $0x80, $0x38;
	[tilespmem:$0x19180] =	vst v63  }
0x85: {  	p1 =	por p2, p2;
	_ =	swait.ge @!p2 [sflag:s9], $0x80  }
0x86: {  	s0 =	simm.s32 @!p1 $0x80;
	[sflag:s9] =	ssyncset.done @!p1 $0x0  }
0x87: {  	s6 =	simm.s32 @!p1 $0x1800;
	[sflag:s9] =	ssyncadd.s32 @!p1 $0xFFFFFF80;
	s9 =	simm.s32 @!p1 $0x1  }
0x88: {  	[tilespmem:s6], [sflag:$0x1] =	stream.indirect.gather @!p1 [hbm4b:s1+s0], $0x80, s8, s0, $0xb8;
	[tilespmem:$0x19180] =	vst v63  }
0x89: {  	_ =	swait.ge @!p1 [sflag:s9], $0x4000  }
0x8a: {  	[sflag:s9] =	ssyncset.done @!p1 $0x0  }
0x8b: {  	s8 =	simm.s32 @!p1 $0x2;
	[sflag:s9] =	ssyncadd.s32 @!p1 $0xFFFFC000  }
0x8c: {  	[spmem:s2] =	stream.indirect.scatter.add.f32 @!p1 [tilespmem:s6], [sflag:$0x2], $0x80, s26, s0, $0xb8;
	[tilespmem:$0x19180] =	vst v63  }
0x8d: {  	_ =	swait.ge @!p1 [sflag:s8], $0x4000  }
0x8e: {  	[sflag:s8] =	ssyncset.done @!p1 $0x0  }
0x8f: {  	[sflag:s8] =	ssyncadd.s32 @!p1 $0xFFFFC000  }
0x90: {  	s28 =	sshll.u32 s4, $0x6;
	[bflag:$0x0] =	sbarrier.arrive $0xFFFF  }
0x91: {  	s29 =	sshrl.u32 s7, $0x3;
	s0 =	sor.u32 $0x1C02, s28;
	s30 =	rddreg [dreg:$0x4]  }
0x92: {  	[hbm:s30], [sflag:s0] =	dma.local [spmem:s29], $0x2700  }
0x93: {  	_ =	swait.ge [sflag:s24], $0x2700  }
0x94: {  	[sflag:s24] =	ssyncset.done $0x0  }
0x95: {  	s6 =	sshrl.u32 @!p0 s5, $0x3;
	s8 =	rddreg [dreg:$0x5];
	[sflag:s24] =	ssyncadd.s32 $0xFFFFD900  }
0x96: {  	[hbm:s8], [sflag:s0] =	dma.local @!p0 [spmem:s6], $0x100  }
0x97: {  	s0 =	simm.s32 @!p0 $0x2  }
0x98: {  	_ =	swait.ge @!p0 [sflag:s0], $0x100  }
0x99: {  	s25 =	sadd.s32 $0x1, s25;
	s31 =	rddreg [dreg:$0x6]  }
0x9a: {  	p1 =	sne.s32 s25, s31  }
.Ltmp2:
0x9b: {  	_ = 	snop;
	(pc) =	sbr.rel @p1 .LBB2_1-.Ltmp2, $3  }
0x9c: {  	_ =	sdelay $0x1  }
0x9d: {  	[sflag:s0] =	ssyncset.done @!p0 $0x0  }
0x9e: {  	[sflag:s0] =	ssyncadd.s32 @!p0 $0xFFFFFF00  }
0x9f: {  	_ =	sfence.sel $0x180000  }
0xa0: {  	[bflag:$0x0] =	sbarrier.arrive $0xFFFF  }
0xa1: {  	_ =	strace $0x9000004A  }
0xa2: {  	[bflag:$0x2] =	sbarrier.arrive $0xFFFF  }
0xa3: {  	s0 =	rddreg [dreg:$0x3]  }
0xa4: {  	s0 =	sadd.s32 @!p0 $0x100000, s0  }
0xa5: {  	[sflag:s0] =	ssyncadd.tile.s32 @!p0 $0x1;
	_ =	shalt  }
.Lfunc_end2:
_tile_overlayer_lowered:
.L_overlay_start_2:
0xa6: {  	(tag) =	ssettag $0x2  }
0xa7: {  	s0 =	rddreg [dreg:$0x0];
	s2 =	stileid.u32  }
0xa8: {  	s1 =	rddreg [dreg:$0x1];
	p0 =	sne.s32 s2, $0x0  }
0xa9: {  	s3 =	rddreg [dreg:$0x2];
	[bflag:$0x3] =	sbarrier.arrive $0xFFFF;
	s2 =	simm.s32 @!p0 $0x1C02  }
0xaa: {  	[timem:s3], [sflag:s2] =	dma.local @!p0 [hbm:s0], s1  }
0xab: {  	s0 =	simm.s32 @!p0 $0x2  }
0xac: {  	_ =	swait.ge @!p0 [sflag:s0], s1  }
0xad: {  	s1 =	ssub.s32 @!p0 $0x0, s1;
	[sflag:s0] =	ssyncset.done @!p0 $0x0  }
0xae: {  	[sflag:s0] =	ssyncadd.s32 @!p0 s1  }
0xaf: {  	[bflag:$0x3] =	sbarrier.arrive $0xFFFF  }
0xb0: {  	_ =	shalt  }

</sc_bundles>
